<compile_context>
chip_gen: v7x
topology: tpu7x:2x2x1
jax: 0.10.2.dev20260603
libtpu: 0.0.44.dev20260713+nightly
codegen_flags: <defaults>
</compile_context>

<pallas_src>
import functools
import numpy as np
import jax
import jax.numpy as jnp
from jax import lax
from jax.experimental import pallas as pl
from jax.experimental.pallas import tpu as pltpu
from jax.experimental.pallas import tpu_sc as plsc

N = 10000
E = 320000
IN_DIM = 128
H = 8
D = 16
HD = H * D
CLAMP = 5.0

NC = 2
NSUB = 16
NW = NC * NSUB
CH = 128
NCHUNK = E // CH
NP = 10240
NST = NP // NSUB
NPA = NP // 8
NSTA = NPA // NSUB


def _qkv_body(x_ref, w_ref, b_ref, q_ref, k_ref, v_ref):
    out = jnp.dot(x_ref[:], w_ref[:], preferred_element_type=jnp.float32)
    out = out + b_ref[:]
    q_ref[:] = out[:, 0:HD]
    k_ref[:] = out[:, HD:2 * HD]
    v_ref[:] = out[:, 2 * HD:3 * HD]


def _qkv(x, w3, b3):
    bn = 2000
    grid = N // bn
    return pl.pallas_call(
        _qkv_body,
        grid=(grid,),
        in_specs=[
            pl.BlockSpec((bn, IN_DIM), lambda i: (i, 0)),
            pl.BlockSpec((IN_DIM, 3 * HD), lambda i: (0, 0)),
            pl.BlockSpec((1, 3 * HD), lambda i: (0, 0)),
        ],
        out_specs=[
            pl.BlockSpec((bn, HD), lambda i: (i, 0)),
            pl.BlockSpec((bn, HD), lambda i: (i, 0)),
            pl.BlockSpec((bn, HD), lambda i: (i, 0)),
        ],
        out_shape=[jax.ShapeDtypeStruct((N, HD), jnp.float32)] * 3,
    )(x, w3, b3)


def _gather_body(ktab, qtab, vtab, src, dst, kg, qg, vg,
                 sidx, didx, kbuf, qbuf, vbuf, sem):
    c = lax.axis_index("c")
    s = lax.axis_index("s")
    wid = s * NC + c

    def body(t, _):
        g = wid + NW * t
        off = pl.multiple_of(g * CH, CH)
        i1 = pltpu.async_copy(src.at[pl.ds(off, CH)], sidx, sem)
        i2 = pltpu.async_copy(dst.at[pl.ds(off, CH)], didx, sem)
        i1.wait()
        i2.wait()
        g1 = pltpu.async_copy(ktab.at[sidx], kbuf, sem)
        g2 = pltpu.async_copy(qtab.at[didx], qbuf, sem)
        g3 = pltpu.async_copy(vtab.at[sidx], vbuf, sem)
        g1.wait()
        g2.wait()
        g3.wait()
        w1 = pltpu.async_copy(kbuf, kg.at[pl.ds(off, CH)], sem)
        w2 = pltpu.async_copy(qbuf, qg.at[pl.ds(off, CH)], sem)
        w3 = pltpu.async_copy(vbuf, vg.at[pl.ds(off, CH)], sem)
        w1.wait()
        w2.wait()
        w3.wait()
        return 0

    trip = (NCHUNK - wid + NW - 1) // NW
    lax.fori_loop(0, trip, body, 0)


def _gather(ktab, qtab, vtab, src, dst):
    mesh = plsc.VectorSubcoreMesh(core_axis_name="c", subcore_axis_name="s")
    f = pl.kernel(
        _gather_body,
        out_type=[jax.ShapeDtypeStruct((E, HD), jnp.float32)] * 3,
        mesh=mesh,
        scratch_types=[
            pltpu.VMEM((CH,), jnp.int32),
            pltpu.VMEM((CH,), jnp.int32),
            pltpu.VMEM((CH, HD), jnp.float32),
            pltpu.VMEM((CH, HD), jnp.float32),
            pltpu.VMEM((CH, HD), jnp.float32),
            pltpu.SemaphoreType.DMA,
        ],
    )
    return f(ktab, qtab, vtab, src, dst)


def _edge_body(ea_ref, kg_ref, qg_ref, vg_ref, wewt_ref, webt_ref,
               bw_ref, bb_ref, awrep_ref, vblk_ref,
               we_ref, p1_ref, p2_ref):
    ea = ea_ref[:]
    kq = kg_ref[:] + qg_ref[:]
    ew = jnp.dot(ea, wewt_ref[:], preferred_element_type=jnp.float32) + bw_ref[:]
    eb = jnp.dot(ea, webt_ref[:], preferred_element_type=jnp.float32) + bb_ref[:]
    sc = kq * ew
    root = jnp.sqrt(jnp.abs(sc))
    et = jnp.where(sc >= 0.0, root, -root) + eb
    we_ref[:] = et
    et2 = jnp.dot(et, vblk_ref[:], preferred_element_type=jnp.float32)
    srep = jnp.dot(et, awrep_ref[:], preferred_element_type=jnp.float32)
    srep = jnp.clip(srep, -CLAMP, CLAMP)
    mrep = jnp.exp(srep)
    p1_ref[:] = mrep * (vg_ref[:] + et2)
    col = lax.broadcasted_iota(jnp.int32, mrep.shape, 1)
    p2_ref[:] = jnp.where(col == 1, 1.0, mrep)


def _edge(edge_attr, kg, qg, vg, wewt, webt, bw, bb, awrep, vblk):
    be_blk = 4000
    grid = E // be_blk
    full = lambda i: (0, 0)
    blk = lambda i: (i, 0)
    return pl.pallas_call(
        _edge_body,
        grid=(grid,),
        in_specs=[
            pl.BlockSpec((be_blk, IN_DIM), blk),
            pl.BlockSpec((be_blk, HD), blk),
            pl.BlockSpec((be_blk, HD), blk),
            pl.BlockSpec((be_blk, HD), blk),
            pl.BlockSpec((IN_DIM, HD), full),
            pl.BlockSpec((IN_DIM, HD), full),
            pl.BlockSpec((1, HD), full),
            pl.BlockSpec((1, HD), full),
            pl.BlockSpec((HD, HD), full),
            pl.BlockSpec((HD, HD), full),
        ],
        out_specs=[
            pl.BlockSpec((be_blk, HD), blk),
            pl.BlockSpec((be_blk, HD), blk),
            pl.BlockSpec((be_blk, HD), blk),
        ],
        out_shape=[
            jax.ShapeDtypeStruct((E, HD), jnp.float32),
            jax.ShapeDtypeStruct((E, HD), jnp.float32),
            jax.ShapeDtypeStruct((E, HD), jnp.float32),
        ],
    )(edge_attr, kg, qg, vg, wewt, webt, bw, bb, awrep, vblk)


def _scatter_body(p1, p2, dst, z1, o1, o2, acc, idxb, b1, sem):
    c = lax.axis_index("c")
    s = lax.axis_index("s")
    row0 = pl.multiple_of(s * NST, NST)
    pltpu.sync_copy(z1, b1)

    def zcp(r, _):
        ro = pl.multiple_of(row0 + r * CH, CH)
        pltpu.sync_copy(b1, acc.at[pl.ds(ro, CH)])
        return 0

    lax.fori_loop(0, NST // CH, zcp, 0)
    plsc.subcore_barrier()

    def body(t, _):
        g = s + NSUB * t
        off = pl.multiple_of(g * CH, CH)
        l1 = pltpu.async_copy(dst.at[pl.ds(off, CH)], idxb, sem)

        @pl.when(c == 0)
        def _():
            pltpu.async_copy(p1.at[pl.ds(off, CH)], b1, sem).wait()

        @pl.when(c == 1)
        def _():
            pltpu.async_copy(p2.at[pl.ds(off, CH)], b1, sem).wait()

        l1.wait()
        pltpu.sync_copy(b1, acc.at[idxb], add=True)
        return 0

    trip = (NCHUNK - s + NSUB - 1) // NSUB
    lax.fori_loop(0, trip, body, 0)
    plsc.subcore_barrier()

    def wcp(r, _):
        ro = pl.multiple_of(row0 + r * CH, CH)
        pltpu.sync_copy(acc.at[pl.ds(ro, CH)], b1)

        @pl.when(c == 0)
        def _():
            pltpu.async_copy(b1, o1.at[pl.ds(ro, CH)], sem).wait()

        @pl.when(c == 1)
        def _():
            pltpu.async_copy(b1, o2.at[pl.ds(ro, CH)], sem).wait()

        return 0

    lax.fori_loop(0, NST // CH, wcp, 0)


def _scatter(p1, p2, dst):
    mesh = plsc.VectorSubcoreMesh(core_axis_name="c", subcore_axis_name="s")
    f = pl.kernel(
        _scatter_body,
        out_type=[
            jax.ShapeDtypeStruct((NP, HD), jnp.float32),
            jax.ShapeDtypeStruct((NP, HD), jnp.float32),
        ],
        mesh=mesh,
        scratch_types=[
            pltpu.VMEM_SHARED((NP, HD), jnp.float32),
            pltpu.VMEM((CH,), jnp.int32),
            pltpu.VMEM((CH, HD), jnp.float32),
            pltpu.SemaphoreType.DMA,
        ],
    )
    z1 = jnp.zeros((CH, HD), jnp.float32)
    return f(p1, p2, dst, z1)


def _node_body(m_ref, aux_ref, sel_ref, degsel_ref,
               p0_ref, p1_ref, p2_ref, p3_ref, pb_ref, out_ref):
    m = m_ref[:]
    aux = aux_ref[:]
    srep = jnp.dot(aux, sel_ref[:], preferred_element_type=jnp.float32)
    degrep = jnp.dot(aux, degsel_ref[:], preferred_element_type=jnp.float32)
    ld = jnp.log1p(degrep)
    wv = m / (srep + 1e-16)
    acc = jnp.dot(wv, p0_ref[:], preferred_element_type=jnp.float32)
    acc = acc + ld * jnp.dot(wv, p1_ref[:], preferred_element_type=jnp.float32)
    acc = acc + jnp.dot(wv, p2_ref[:], preferred_element_type=jnp.float32) / (1.0 + ld)
    acc = acc + (1.0 + 0.5 * ld) * jnp.dot(wv, p3_ref[:], preferred_element_type=jnp.float32)
    out_ref[:] = acc + pb_ref[:]


def _node(m, aux, sel, degsel, p0, p1, p2, p3, pb):
    bn = 2000
    grid = N // bn
    full = lambda i: (0, 0)
    blk = lambda i: (i, 0)
    return pl.pallas_call(
        _node_body,
        grid=(grid,),
        in_specs=[
            pl.BlockSpec((bn, HD), blk),
            pl.BlockSpec((bn, HD), blk),
            pl.BlockSpec((HD, HD), full),
            pl.BlockSpec((HD, HD), full),
            pl.BlockSpec((HD, HD), full),
            pl.BlockSpec((HD, HD), full),
            pl.BlockSpec((HD, HD), full),
            pl.BlockSpec((HD, HD), full),
            pl.BlockSpec((1, HD), full),
        ],
        out_specs=pl.BlockSpec((bn, HD), blk),
        out_shape=jax.ShapeDtypeStruct((N, HD), jnp.float32),
    )(m, aux, sel, degsel, p0, p1, p2, p3, pb)


_SEL1 = np.zeros((HD, HD), np.float32)
for _h in range(H):
    _SEL1[_h * D, _h * D:(_h + 1) * D] = 1.0
_DEGSEL = np.zeros((HD, HD), np.float32)
_DEGSEL[1, :] = 1.0


def _blockdiag(blocks):
    out = jnp.zeros((HD, HD), jnp.float32)
    for h, b in enumerate(blocks):
        out = out.at[h * D:(h + 1) * D, h * D:(h + 1) * D].set(b)
    return out


@jax.jit
def kernel(x, edge_index, edge_attr, Wq, bq, Wk, bk, Wv, bv, We, be, Aw,
           VeRow, projW, projb):
    src = edge_index[0].astype(jnp.int32)
    dst = edge_index[1].astype(jnp.int32)

    w3 = jnp.concatenate([Wq.T, Wk.T, Wv.T], axis=1)
    b3 = jnp.concatenate([bq, bk, bv]).reshape(1, 3 * HD)

    we4 = We.reshape(H, 2 * D, IN_DIM)
    wewt = we4[:, :D, :].reshape(HD, IN_DIM).T
    webt = we4[:, D:, :].reshape(HD, IN_DIM).T
    be2 = be.reshape(H, 2 * D)
    bw = be2[:, :D].reshape(1, HD)
    bb = be2[:, D:].reshape(1, HD)

    aw2 = Aw[:, :, 0]
    awrep = _blockdiag([jnp.outer(aw2[:, h], jnp.ones((D,), jnp.float32))
                        for h in range(H)])
    vblk = _blockdiag([VeRow[:, h, :] for h in range(H)])
    pjt = [_blockdiag([projW[:, j * D:(j + 1) * D].T] * H) for j in range(4)]
    pb = jnp.tile(projb, H).reshape(1, HD)

    q, k, v = _qkv(x, w3, b3)
    kg, qg, vg = _gather(k, q, v, src, dst)
    wE, pay1, pay2 = _edge(edge_attr, kg, qg, vg, wewt, webt, bw, bb,
                           awrep, vblk)
    o1, o2 = _scatter(pay1, pay2, dst)
    out = _node(o1[:N], o2[:N], jnp.asarray(_SEL1), jnp.asarray(_DEGSEL),
                pjt[0], pjt[1], pjt[2], pjt[3], pb)
    return out.reshape(N, H, D), wE

# --- scband reference (transcript-rebuilt; emitter-appended) ---
"""Pipeline reference for scband-scale-graph-former-attention-layer-54417235640722 (READ-ONLY COPY).

The authoritative reference and input builder live on the scoring server;
editing this copy changes nothing except your own understanding.
"""

import jax, jax.numpy as jnp
import numpy as np

N = 10000
E_EDGES = 320000
IN_DIM = 128
H = 8
D = 16
CLAMP = 5.0


def _safe_sqrt(u):
    # sqrt of a nonnegative tensor with nan-free gradients at 0
    pos = u > 0
    return jnp.where(pos, jnp.sqrt(jnp.where(pos, u, 1.0)), 0.0)


def setup_inputs(seed: int = 0) -> dict:
    key = jax.random.key(seed)
    ks = jax.random.split(key, 12)
    x = jax.random.normal(ks[0], (N, IN_DIM), dtype=jnp.float32)
    edge_index = jax.random.randint(ks[1], (2, E_EDGES), 0, N)
    edge_attr = jax.random.normal(ks[2], (E_EDGES, IN_DIM), dtype=jnp.float32)
    sq = 1.0 / np.sqrt(IN_DIM)
    Wq = jax.random.normal(ks[3], (H * D, IN_DIM), dtype=jnp.float32) * sq
    bq = jnp.zeros((H * D,), jnp.float32)
    Wk = jax.random.normal(ks[4], (H * D, IN_DIM), dtype=jnp.float32) * sq
    bk = jnp.zeros((H * D,), jnp.float32)
    Wv = jax.random.normal(ks[5], (H * D, IN_DIM), dtype=jnp.float32) * sq
    bv = jnp.zeros((H * D,), jnp.float32)
    We = jax.random.normal(ks[6], (H * D * 2, IN_DIM), dtype=jnp.float32) * sq
    be = jnp.zeros((H * D * 2,), jnp.float32)
    Aw = jax.random.normal(ks[7], (D, H, 1), dtype=jnp.float32) * (1.0 / np.sqrt(D))
    VeRow = jax.random.normal(ks[8], (D, H, D), dtype=jnp.float32) * (1.0 / np.sqrt(D))
    projW = jax.random.normal(ks[9], (D, 4 * D), dtype=jnp.float32) * (1.0 / np.sqrt(4 * D))
    projb = jnp.zeros((D,), jnp.float32)
    return {"x": x, "edge_index": edge_index, "edge_attr": edge_attr,
            "Wq": Wq, "bq": bq, "Wk": Wk, "bk": bk, "Wv": Wv, "bv": bv,
            "We": We, "be": be, "Aw": Aw, "VeRow": VeRow,
            "projW": projW, "projb": projb}


def reference(x, edge_index, edge_attr, Wq, bq, Wk, bk, Wv, bv, We, be, Aw, VeRow, projW, projb):
    src = edge_index[0]
    dst = edge_index[1]
    Q_h = (x @ Wq.T + bq).reshape(N, H, D)
    K_h = (x @ Wk.T + bk).reshape(N, H, D)
    V_h = (x @ Wv.T + bv).reshape(N, H, D)
    E_proj = (edge_attr @ We.T + be).reshape(E_EDGES, H, 2 * D)
    E_w = E_proj[:, :, :D]
    E_b = E_proj[:, :, D:]
    # propagate_attention
    score = K_h[src] + Q_h[dst]                     # (E, H, D)
    score = score * E_w
    score = _safe_sqrt(jax.nn.relu(score)) - _safe_sqrt(jax.nn.relu(-score))
    score = score + E_b
    e_t = score
    wE = score.reshape(E_EDGES, H * D)
    score = jnp.einsum('ehd,dhc->ehc', score, Aw)   # (E, H, 1)
    score = jnp.clip(score, -CLAMP, CLAMP)
    # sparse softmax grouped by dst node
    smax = jax.ops.segment_max(score, dst, num_segments=N)
    smax = jnp.where(jnp.isfinite(smax), smax, 0.0)
    score = jnp.exp(score - smax[dst])
    ssum = jax.ops.segment_sum(score, dst, num_segments=N)
    score = score / (ssum[dst] + 1e-16)
    # weighted message aggregation
    msg = V_h[src] * score                          # (E, H, D)
    wV = jax.ops.segment_sum(msg, dst, num_segments=N)
    # edge enhancement
    rowV = jax.ops.segment_sum(e_t * score, dst, num_segments=N)
    rowV = jnp.einsum('nhd,dhc->nhc', rowV, VeRow)
    wV = wV + rowV
    # PNA degree scaler
    deg = jax.ops.segment_sum(jnp.ones((E_EDGES,), jnp.float32), dst, num_segments=N)
    ld = jnp.log1p(deg).reshape(N, 1, 1)
    scaled = jnp.concatenate([wV, wV * ld, wV / (1.0 + ld), wV * (1.0 + 0.5 * ld)], axis=-1)
    out = scaled.reshape(N * H, 4 * D) @ projW.T + projb
    h_out = out.reshape(N, H, D)
    return (h_out, wE)

if __name__ == "__main__":
    import jax
    _d = setup_inputs()
    print(jax.jit(kernel)(*tuple(_d.values())))

</pallas_src>

<mosaic_0001>
#map = affine_map<(d0, d1) -> (0, 0)>
#map1 = affine_map<(d0, d1) -> (0)>
module attributes {stable_mosaic.version = 14 : i64} {
  func.func @_scatter_body(%arg0: i32, %arg1: i32, %arg2: memref<320000x128xf32, #tpu.memory_space<hbm>>, %arg3: memref<320000x128xf32, #tpu.memory_space<hbm>>, %arg4: memref<320000xi32, #tpu.memory_space<hbm>>, %arg5: memref<128x128xf32, #tpu.memory_space<hbm>>, %arg6: memref<10240x128xf32, #tpu.memory_space<hbm>>, %arg7: memref<10240x128xf32, #tpu.memory_space<hbm>>, %arg8: memref<10240x128xf32, #tpu.memory_space<vmem_shared>>, %arg9: memref<128xi32, #tpu.memory_space<vmem>>, %arg10: memref<128x128xf32, #tpu.memory_space<vmem>>, %arg11: memref<!tpu.dma_semaphore, #tpu.memory_space<semaphore_mem>>) attributes {dimension_semantics = [#tpu.dimension_semantics<core_parallel>, #tpu.dimension_semantics<subcore_parallel>], iteration_bounds = array<i64: 2, 16>, scalar_prefetch = 0 : i64, scratch_operands = 4 : i64, tpu.core_type = #tpu.core_type<sc_vector_subcore>, window_params = [{transform_indices = #map}, {transform_indices = #map}, {transform_indices = #map1}, {transform_indices = #map}, {transform_indices = #map}, {transform_indices = #map}]} {
    %mul3A = arith.constant 640 : i32
    %mul3A_0 = arith.muli %arg1, %mul3A : i32
    %multiple_of3A = tpu.assume_multiple %mul3A_0, 640 : i32
    "tpu.region"() ({
      %run_scoped3A = tpu.sem_alloc : memref<!tpu.dma_semaphore, #tpu.memory_space<semaphore_mem>>
      tpu.enqueue_dma source(%arg5 : memref<128x128xf32, #tpu.memory_space<hbm>>) target(%arg10 : memref<128x128xf32, #tpu.memory_space<vmem>>) target_semaphore(%run_scoped3A : memref<!tpu.dma_semaphore, #tpu.memory_space<semaphore_mem>>)
      tpu.wait_dma2 semaphore(%run_scoped3A : memref<!tpu.dma_semaphore, #tpu.memory_space<semaphore_mem>>) src(%arg5 : memref<128x128xf32, #tpu.memory_space<hbm>>) dst(%arg10 : memref<128x128xf32, #tpu.memory_space<vmem>>)
      tpu.yield
    }) : () -> ()
    %scan3A = arith.constant 0 : i32
    %scan3A_1 = arith.constant 0 : i32
    %scan3A_2 = arith.constant 5 : i32
    %scan3A_3 = arith.addi %scan3A_1, %scan3A_2 : i32
    %scan3A_4 = arith.constant 1 : i32
    %scan3A_5 = scf.for %scan3A_47 = %scan3A_1 to %scan3A_3 step %scan3A_4 iter_args(%scan3A_48 = %scan3A) -> (i32)  : i32 {
      %mul3A_49 = arith.constant 128 : i32
      %mul3A_50 = arith.muli %scan3A_47, %mul3A_49 : i32
      %add3A_51 = arith.addi %multiple_of3A, %mul3A_50 : i32
      %multiple_of3A_52 = tpu.assume_multiple %add3A_51, 128 : i32
      "tpu.region"() ({
        %run_scoped3A = tpu.sem_alloc : memref<!tpu.dma_semaphore, #tpu.memory_space<semaphore_mem>>
        %dma_start3A = arith.constant 0 : i32
        %dma_start3A_54 = tpu.memref_slice %arg8[%multiple_of3A_52, %dma_start3A] : memref<10240x128xf32, #tpu.memory_space<vmem_shared>> -> memref<128x128xf32, #tpu.memory_space<vmem_shared>>
        %dma_start3A_55 = arith.constant 0 : i32
        %dma_start3A_56 = tpu.memref_slice %arg8[%multiple_of3A_52, %dma_start3A_55] : memref<10240x128xf32, #tpu.memory_space<vmem_shared>> -> memref<128x128xf32, #tpu.memory_space<vmem_shared>>
        tpu.enqueue_dma source(%arg10 : memref<128x128xf32, #tpu.memory_space<vmem>>) target(%dma_start3A_56 : memref<128x128xf32, #tpu.memory_space<vmem_shared>>) target_semaphore(%run_scoped3A : memref<!tpu.dma_semaphore, #tpu.memory_space<semaphore_mem>>)
        %dma_wait3A = arith.constant 0 : i32
        %dma_wait3A_57 = tpu.memref_slice %arg8[%multiple_of3A_52, %dma_wait3A] : memref<10240x128xf32, #tpu.memory_space<vmem_shared>> -> memref<128x128xf32, #tpu.memory_space<vmem_shared>>
        %dma_wait3A_58 = arith.constant 0 : i32
        %dma_wait3A_59 = tpu.memref_slice %arg8[%multiple_of3A_52, %dma_wait3A_58] : memref<10240x128xf32, #tpu.memory_space<vmem_shared>> -> memref<128x128xf32, #tpu.memory_space<vmem_shared>>
        tpu.wait_dma2 semaphore(%run_scoped3A : memref<!tpu.dma_semaphore, #tpu.memory_space<semaphore_mem>>) src(%arg10 : memref<128x128xf32, #tpu.memory_space<vmem>>) dst(%dma_wait3A_59 : memref<128x128xf32, #tpu.memory_space<vmem_shared>>)
        tpu.yield
      }) : () -> ()
      %scan3A_53 = arith.constant 0 : i32
      scf.yield %scan3A_53 : i32
    }
    %scan3A_6 = arith.constant 5 : i32
    %barrier3A = arith.constant 0 : index
    tpu.barrier barrier_id(%barrier3A)
    %sub3A = arith.constant 2500 : i32
    %sub3A_7 = arith.subi %sub3A, %arg1 : i32
    %add3A = arith.constant 16 : i32
    %add3A_8 = arith.addi %sub3A_7, %add3A : i32
    %sub3A_9 = arith.constant 1 : i32
    %sub3A_10 = arith.subi %add3A_8, %sub3A_9 : i32
    %jit3A = arith.constant 16 : i32
    %div3A = arith.divsi %sub3A_10, %jit3A : i32
    %sign3A = arith.constant 0 : i32
    %sign3A_11 = arith.cmpi sgt, %sub3A_10, %sign3A : i32
    %sign3A_12 = arith.extui %sign3A_11 : i1 to i32
    %sign3A_13 = arith.constant 0 : i32
    %sign3A_14 = arith.cmpi slt, %sub3A_10, %sign3A_13 : i32
    %sign3A_15 = arith.extui %sign3A_14 : i1 to i32
    %sign3A_16 = arith.subi %sign3A_12, %sign3A_15 : i32
    %sign3A_17 = arith.constant 0 : i32
    %sign3A_18 = arith.cmpi sgt, %jit3A, %sign3A_17 : i32
    %sign3A_19 = arith.extui %sign3A_18 : i1 to i32
    %sign3A_20 = arith.constant 0 : i32
    %sign3A_21 = arith.cmpi slt, %jit3A, %sign3A_20 : i32
    %sign3A_22 = arith.extui %sign3A_21 : i1 to i32
    %sign3A_23 = arith.subi %sign3A_19, %sign3A_22 : i32
    %ne3A = arith.cmpi ne, %sign3A_16, %sign3A_23 : i32
    %rem3A = arith.remsi %sub3A_10, %jit3A : i32
    %ne3A_24 = arith.constant 0 : i32
    %ne3A_25 = arith.cmpi ne, %rem3A, %ne3A_24 : i32
    %and3A = arith.andi %ne3A, %ne3A_25 : i1
    %sub3A_26 = arith.constant 1 : i32
    %sub3A_27 = arith.subi %div3A, %sub3A_26 : i32
    %select_n3A = arith.select %and3A, %sub3A_27, %div3A : i32
    %while3A = arith.constant 0 : i32
    %while3A_28 = arith.constant 0 : i32
    %while3A_29 = arith.subi %select_n3A, %while3A : i32
    %while3A_30 = arith.addi %while3A, %while3A_29 : i32
    %while3A_31 = arith.constant 1 : i32
    %while3A_32 = arith.divsi %while3A_29, %while3A_31 : i32
    %while3A_33 = arith.muli %while3A_32, %while3A_31 : i32
    %while3A_34 = arith.addi %while3A, %while3A_33 : i32
    %while3A_35 = arith.constant 1 : i32
    %while3A_36 = scf.for %while3A_47 = %while3A to %while3A_34 step %while3A_35 iter_args(%while3A_48 = %while3A_28) -> (i32)  : i32 {
      %mul3A_49 = arith.constant 16 : i32
      %mul3A_50 = arith.muli %mul3A_49, %while3A_47 : i32
      %add3A_51 = arith.addi %arg1, %mul3A_50 : i32
      %mul3A_52 = arith.constant 128 : i32
      %mul3A_53 = arith.muli %add3A_51, %mul3A_52 : i32
      %multiple_of3A_54 = tpu.assume_multiple %mul3A_53, 128 : i32
      %dma_start3A = tpu.memref_slice %arg4[%multiple_of3A_54] : memref<320000xi32, #tpu.memory_space<hbm>> -> memref<128xi32, #tpu.memory_space<hbm>>
      %dma_start3A_55 = tpu.memref_slice %arg4[%multiple_of3A_54] : memref<320000xi32, #tpu.memory_space<hbm>> -> memref<128xi32, #tpu.memory_space<hbm>>
      tpu.enqueue_dma source(%dma_start3A_55 : memref<128xi32, #tpu.memory_space<hbm>>) target(%arg9 : memref<128xi32, #tpu.memory_space<vmem>>) target_semaphore(%arg11 : memref<!tpu.dma_semaphore, #tpu.memory_space<semaphore_mem>>)
      %eq3A = arith.constant 0 : i32
      %eq3A_56 = arith.cmpi eq, %arg0, %eq3A : i32
      %convert_element_type3A = arith.extui %eq3A_56 : i1 to i32
      %cond3A = arith.constant 0 : i32
      %cond3A_57 = arith.cmpi ne, %convert_element_type3A, %cond3A : i32
      scf.if %cond3A_57 {
        %dma_start3A_65 = arith.constant 0 : i32
        %dma_start3A_66 = tpu.memref_slice %arg2[%multiple_of3A_54, %dma_start3A_65] : memref<320000x128xf32, #tpu.memory_space<hbm>> -> memref<128x128xf32, #tpu.memory_space<hbm>>
        %dma_start3A_67 = arith.constant 0 : i32
        %dma_start3A_68 = tpu.memref_slice %arg2[%multiple_of3A_54, %dma_start3A_67] : memref<320000x128xf32, #tpu.memory_space<hbm>> -> memref<128x128xf32, #tpu.memory_space<hbm>>
        tpu.enqueue_dma source(%dma_start3A_68 : memref<128x128xf32, #tpu.memory_space<hbm>>) target(%arg10 : memref<128x128xf32, #tpu.memory_space<vmem>>) target_semaphore(%arg11 : memref<!tpu.dma_semaphore, #tpu.memory_space<semaphore_mem>>)
        %dma_wait3A_69 = arith.constant 0 : i32
        %dma_wait3A_70 = tpu.memref_slice %arg2[%multiple_of3A_54, %dma_wait3A_69] : memref<320000x128xf32, #tpu.memory_space<hbm>> -> memref<128x128xf32, #tpu.memory_space<hbm>>
        %dma_wait3A_71 = arith.constant 0 : i32
        %dma_wait3A_72 = tpu.memref_slice %arg2[%multiple_of3A_54, %dma_wait3A_71] : memref<320000x128xf32, #tpu.memory_space<hbm>> -> memref<128x128xf32, #tpu.memory_space<hbm>>
        tpu.wait_dma2 semaphore(%arg11 : memref<!tpu.dma_semaphore, #tpu.memory_space<semaphore_mem>>) src(%dma_wait3A_72 : memref<128x128xf32, #tpu.memory_space<hbm>>) dst(%arg10 : memref<128x128xf32, #tpu.memory_space<vmem>>)
      } else {
      }
      %eq3A_58 = arith.constant 1 : i32
      %eq3A_59 = arith.cmpi eq, %arg0, %eq3A_58 : i32
      %convert_element_type3A_60 = arith.extui %eq3A_59 : i1 to i32
      %cond3A_61 = arith.constant 0 : i32
      %cond3A_62 = arith.cmpi ne, %convert_element_type3A_60, %cond3A_61 : i32
      scf.if %cond3A_62 {
        %dma_start3A_65 = arith.constant 0 : i32
        %dma_start3A_66 = tpu.memref_slice %arg3[%multiple_of3A_54, %dma_start3A_65] : memref<320000x128xf32, #tpu.memory_space<hbm>> -> memref<128x128xf32, #tpu.memory_space<hbm>>
        %dma_start3A_67 = arith.constant 0 : i32
        %dma_start3A_68 = tpu.memref_slice %arg3[%multiple_of3A_54, %dma_start3A_67] : memref<320000x128xf32, #tpu.memory_space<hbm>> -> memref<128x128xf32, #tpu.memory_space<hbm>>
        tpu.enqueue_dma source(%dma_start3A_68 : memref<128x128xf32, #tpu.memory_space<hbm>>) target(%arg10 : memref<128x128xf32, #tpu.memory_space<vmem>>) target_semaphore(%arg11 : memref<!tpu.dma_semaphore, #tpu.memory_space<semaphore_mem>>)
        %dma_wait3A_69 = arith.constant 0 : i32
        %dma_wait3A_70 = tpu.memref_slice %arg3[%multiple_of3A_54, %dma_wait3A_69] : memref<320000x128xf32, #tpu.memory_space<hbm>> -> memref<128x128xf32, #tpu.memory_space<hbm>>
        %dma_wait3A_71 = arith.constant 0 : i32
        %dma_wait3A_72 = tpu.memref_slice %arg3[%multiple_of3A_54, %dma_wait3A_71] : memref<320000x128xf32, #tpu.memory_space<hbm>> -> memref<128x128xf32, #tpu.memory_space<hbm>>
        tpu.wait_dma2 semaphore(%arg11 : memref<!tpu.dma_semaphore, #tpu.memory_space<semaphore_mem>>) src(%dma_wait3A_72 : memref<128x128xf32, #tpu.memory_space<hbm>>) dst(%arg10 : memref<128x128xf32, #tpu.memory_space<vmem>>)
      } else {
      }
      %dma_wait3A = tpu.memref_slice %arg4[%multiple_of3A_54] : memref<320000xi32, #tpu.memory_space<hbm>> -> memref<128xi32, #tpu.memory_space<hbm>>
      %dma_wait3A_63 = tpu.memref_slice %arg4[%multiple_of3A_54] : memref<320000xi32, #tpu.memory_space<hbm>> -> memref<128xi32, #tpu.memory_space<hbm>>
      tpu.wait_dma2 semaphore(%arg11 : memref<!tpu.dma_semaphore, #tpu.memory_space<semaphore_mem>>) src(%dma_wait3A_63 : memref<128xi32, #tpu.memory_space<hbm>>) dst(%arg9 : memref<128xi32, #tpu.memory_space<vmem>>)
      "tpu.region"() ({
        %run_scoped3A = tpu.sem_alloc : memref<!tpu.dma_semaphore, #tpu.memory_space<semaphore_mem>>
        %dma_start3A_65 = arith.constant 0 : i32
        %dma_start3A_66 = arith.constant 0 : i32
        %dma_start3A_67 = tpu.memref_slice %arg8[%dma_start3A_65, %dma_start3A_66] : memref<10240x128xf32, #tpu.memory_space<vmem_shared>> -> memref<10240x128xf32, #tpu.memory_space<vmem_shared>>
        tpu.enqueue_indirect_dma source(%arg10 : memref<128x128xf32, #tpu.memory_space<vmem>>) target(%dma_start3A_67 : memref<10240x128xf32, #tpu.memory_space<vmem_shared>>) offsets(%arg9 : memref<128xi32, #tpu.memory_space<vmem>>) semaphore(%run_scoped3A : memref<!tpu.dma_semaphore, #tpu.memory_space<semaphore_mem>>) {add = true}
        %dma_wait3A_68 = arith.constant 0 : i32
        %dma_wait3A_69 = arith.constant 0 : i32
        %dma_wait3A_70 = tpu.memref_slice %arg8[%dma_wait3A_68, %dma_wait3A_69] : memref<10240x128xf32, #tpu.memory_space<vmem_shared>> -> memref<10240x128xf32, #tpu.memory_space<vmem_shared>>
        tpu.wait_indirect_dma semaphore(%run_scoped3A : memref<!tpu.dma_semaphore, #tpu.memory_space<semaphore_mem>>) src(%arg10 : memref<128x128xf32, #tpu.memory_space<vmem>>) dst(%dma_wait3A_70 : memref<10240x128xf32, #tpu.memory_space<vmem_shared>>)
        tpu.yield
      }) : () -> ()
      %while3A_64 = arith.constant 0 : i32
      scf.yield %while3A_64 : i32
    }
    %while3A_37 = arith.constant 1 : i32
    %while3A_38 = scf.for %while3A_47 = %while3A_34 to %while3A_30 step %while3A_37 iter_args(%while3A_48 = %while3A_36) -> (i32)  : i32 {
      %mul3A_49 = arith.constant 16 : i32
      %mul3A_50 = arith.muli %mul3A_49, %while3A_47 : i32
      %add3A_51 = arith.addi %arg1, %mul3A_50 : i32
      %mul3A_52 = arith.constant 128 : i32
      %mul3A_53 = arith.muli %add3A_51, %mul3A_52 : i32
      %multiple_of3A_54 = tpu.assume_multiple %mul3A_53, 128 : i32
      %dma_start3A = tpu.memref_slice %arg4[%multiple_of3A_54] : memref<320000xi32, #tpu.memory_space<hbm>> -> memref<128xi32, #tpu.memory_space<hbm>>
      %dma_start3A_55 = tpu.memref_slice %arg4[%multiple_of3A_54] : memref<320000xi32, #tpu.memory_space<hbm>> -> memref<128xi32, #tpu.memory_space<hbm>>
      tpu.enqueue_dma source(%dma_start3A_55 : memref<128xi32, #tpu.memory_space<hbm>>) target(%arg9 : memref<128xi32, #tpu.memory_space<vmem>>) target_semaphore(%arg11 : memref<!tpu.dma_semaphore, #tpu.memory_space<semaphore_mem>>)
      %eq3A = arith.constant 0 : i32
      %eq3A_56 = arith.cmpi eq, %arg0, %eq3A : i32
      %convert_element_type3A = arith.extui %eq3A_56 : i1 to i32
      %cond3A = arith.constant 0 : i32
      %cond3A_57 = arith.cmpi ne, %convert_element_type3A, %cond3A : i32
      scf.if %cond3A_57 {
        %dma_start3A_65 = arith.constant 0 : i32
        %dma_start3A_66 = tpu.memref_slice %arg2[%multiple_of3A_54, %dma_start3A_65] : memref<320000x128xf32, #tpu.memory_space<hbm>> -> memref<128x128xf32, #tpu.memory_space<hbm>>
        %dma_start3A_67 = arith.constant 0 : i32
        %dma_start3A_68 = tpu.memref_slice %arg2[%multiple_of3A_54, %dma_start3A_67] : memref<320000x128xf32, #tpu.memory_space<hbm>> -> memref<128x128xf32, #tpu.memory_space<hbm>>
        tpu.enqueue_dma source(%dma_start3A_68 : memref<128x128xf32, #tpu.memory_space<hbm>>) target(%arg10 : memref<128x128xf32, #tpu.memory_space<vmem>>) target_semaphore(%arg11 : memref<!tpu.dma_semaphore, #tpu.memory_space<semaphore_mem>>)
        %dma_wait3A_69 = arith.constant 0 : i32
        %dma_wait3A_70 = tpu.memref_slice %arg2[%multiple_of3A_54, %dma_wait3A_69] : memref<320000x128xf32, #tpu.memory_space<hbm>> -> memref<128x128xf32, #tpu.memory_space<hbm>>
        %dma_wait3A_71 = arith.constant 0 : i32
        %dma_wait3A_72 = tpu.memref_slice %arg2[%multiple_of3A_54, %dma_wait3A_71] : memref<320000x128xf32, #tpu.memory_space<hbm>> -> memref<128x128xf32, #tpu.memory_space<hbm>>
        tpu.wait_dma2 semaphore(%arg11 : memref<!tpu.dma_semaphore, #tpu.memory_space<semaphore_mem>>) src(%dma_wait3A_72 : memref<128x128xf32, #tpu.memory_space<hbm>>) dst(%arg10 : memref<128x128xf32, #tpu.memory_space<vmem>>)
      } else {
      }
      %eq3A_58 = arith.constant 1 : i32
      %eq3A_59 = arith.cmpi eq, %arg0, %eq3A_58 : i32
      %convert_element_type3A_60 = arith.extui %eq3A_59 : i1 to i32
      %cond3A_61 = arith.constant 0 : i32
      %cond3A_62 = arith.cmpi ne, %convert_element_type3A_60, %cond3A_61 : i32
      scf.if %cond3A_62 {
        %dma_start3A_65 = arith.constant 0 : i32
        %dma_start3A_66 = tpu.memref_slice %arg3[%multiple_of3A_54, %dma_start3A_65] : memref<320000x128xf32, #tpu.memory_space<hbm>> -> memref<128x128xf32, #tpu.memory_space<hbm>>
        %dma_start3A_67 = arith.constant 0 : i32
        %dma_start3A_68 = tpu.memref_slice %arg3[%multiple_of3A_54, %dma_start3A_67] : memref<320000x128xf32, #tpu.memory_space<hbm>> -> memref<128x128xf32, #tpu.memory_space<hbm>>
        tpu.enqueue_dma source(%dma_start3A_68 : memref<128x128xf32, #tpu.memory_space<hbm>>) target(%arg10 : memref<128x128xf32, #tpu.memory_space<vmem>>) target_semaphore(%arg11 : memref<!tpu.dma_semaphore, #tpu.memory_space<semaphore_mem>>)
        %dma_wait3A_69 = arith.constant 0 : i32
        %dma_wait3A_70 = tpu.memref_slice %arg3[%multiple_of3A_54, %dma_wait3A_69] : memref<320000x128xf32, #tpu.memory_space<hbm>> -> memref<128x128xf32, #tpu.memory_space<hbm>>
        %dma_wait3A_71 = arith.constant 0 : i32
        %dma_wait3A_72 = tpu.memref_slice %arg3[%multiple_of3A_54, %dma_wait3A_71] : memref<320000x128xf32, #tpu.memory_space<hbm>> -> memref<128x128xf32, #tpu.memory_space<hbm>>
        tpu.wait_dma2 semaphore(%arg11 : memref<!tpu.dma_semaphore, #tpu.memory_space<semaphore_mem>>) src(%dma_wait3A_72 : memref<128x128xf32, #tpu.memory_space<hbm>>) dst(%arg10 : memref<128x128xf32, #tpu.memory_space<vmem>>)
      } else {
      }
      %dma_wait3A = tpu.memref_slice %arg4[%multiple_of3A_54] : memref<320000xi32, #tpu.memory_space<hbm>> -> memref<128xi32, #tpu.memory_space<hbm>>
      %dma_wait3A_63 = tpu.memref_slice %arg4[%multiple_of3A_54] : memref<320000xi32, #tpu.memory_space<hbm>> -> memref<128xi32, #tpu.memory_space<hbm>>
      tpu.wait_dma2 semaphore(%arg11 : memref<!tpu.dma_semaphore, #tpu.memory_space<semaphore_mem>>) src(%dma_wait3A_63 : memref<128xi32, #tpu.memory_space<hbm>>) dst(%arg9 : memref<128xi32, #tpu.memory_space<vmem>>)
      "tpu.region"() ({
        %run_scoped3A = tpu.sem_alloc : memref<!tpu.dma_semaphore, #tpu.memory_space<semaphore_mem>>
        %dma_start3A_65 = arith.constant 0 : i32
        %dma_start3A_66 = arith.constant 0 : i32
        %dma_start3A_67 = tpu.memref_slice %arg8[%dma_start3A_65, %dma_start3A_66] : memref<10240x128xf32, #tpu.memory_space<vmem_shared>> -> memref<10240x128xf32, #tpu.memory_space<vmem_shared>>
        tpu.enqueue_indirect_dma source(%arg10 : memref<128x128xf32, #tpu.memory_space<vmem>>) target(%dma_start3A_67 : memref<10240x128xf32, #tpu.memory_space<vmem_shared>>) offsets(%arg9 : memref<128xi32, #tpu.memory_space<vmem>>) semaphore(%run_scoped3A : memref<!tpu.dma_semaphore, #tpu.memory_space<semaphore_mem>>) {add = true}
        %dma_wait3A_68 = arith.constant 0 : i32
        %dma_wait3A_69 = arith.constant 0 : i32
        %dma_wait3A_70 = tpu.memref_slice %arg8[%dma_wait3A_68, %dma_wait3A_69] : memref<10240x128xf32, #tpu.memory_space<vmem_shared>> -> memref<10240x128xf32, #tpu.memory_space<vmem_shared>>
        tpu.wait_indirect_dma semaphore(%run_scoped3A : memref<!tpu.dma_semaphore, #tpu.memory_space<semaphore_mem>>) src(%arg10 : memref<128x128xf32, #tpu.memory_space<vmem>>) dst(%dma_wait3A_70 : memref<10240x128xf32, #tpu.memory_space<vmem_shared>>)
        tpu.yield
      }) : () -> ()
      %while3A_64 = arith.constant 0 : i32
      scf.yield %while3A_64 : i32
    }
    %barrier3A_39 = arith.constant 0 : index
    tpu.barrier barrier_id(%barrier3A_39)
    %scan3A_40 = arith.constant 0 : i32
    %scan3A_41 = arith.constant 0 : i32
    %scan3A_42 = arith.constant 5 : i32
    %scan3A_43 = arith.addi %scan3A_41, %scan3A_42 : i32
    %scan3A_44 = arith.constant 1 : i32
    %scan3A_45 = scf.for %scan3A_47 = %scan3A_41 to %scan3A_43 step %scan3A_44 iter_args(%scan3A_48 = %scan3A_40) -> (i32)  : i32 {
      %mul3A_49 = arith.constant 128 : i32
      %mul3A_50 = arith.muli %scan3A_47, %mul3A_49 : i32
      %add3A_51 = arith.addi %multiple_of3A, %mul3A_50 : i32
      %multiple_of3A_52 = tpu.assume_multiple %add3A_51, 128 : i32
      "tpu.region"() ({
        %run_scoped3A = tpu.sem_alloc : memref<!tpu.dma_semaphore, #tpu.memory_space<semaphore_mem>>
        %dma_start3A = arith.constant 0 : i32
        %dma_start3A_61 = tpu.memref_slice %arg8[%multiple_of3A_52, %dma_start3A] : memref<10240x128xf32, #tpu.memory_space<vmem_shared>> -> memref<128x128xf32, #tpu.memory_space<vmem_shared>>
        %dma_start3A_62 = arith.constant 0 : i32
        %dma_start3A_63 = tpu.memref_slice %arg8[%multiple_of3A_52, %dma_start3A_62] : memref<10240x128xf32, #tpu.memory_space<vmem_shared>> -> memref<128x128xf32, #tpu.memory_space<vmem_shared>>
        tpu.enqueue_dma source(%dma_start3A_63 : memref<128x128xf32, #tpu.memory_space<vmem_shared>>) target(%arg10 : memref<128x128xf32, #tpu.memory_space<vmem>>) target_semaphore(%run_scoped3A : memref<!tpu.dma_semaphore, #tpu.memory_space<semaphore_mem>>)
        %dma_wait3A = arith.constant 0 : i32
        %dma_wait3A_64 = tpu.memref_slice %arg8[%multiple_of3A_52, %dma_wait3A] : memref<10240x128xf32, #tpu.memory_space<vmem_shared>> -> memref<128x128xf32, #tpu.memory_space<vmem_shared>>
        %dma_wait3A_65 = arith.constant 0 : i32
        %dma_wait3A_66 = tpu.memref_slice %arg8[%multiple_of3A_52, %dma_wait3A_65] : memref<10240x128xf32, #tpu.memory_space<vmem_shared>> -> memref<128x128xf32, #tpu.memory_space<vmem_shared>>
        tpu.wait_dma2 semaphore(%run_scoped3A : memref<!tpu.dma_semaphore, #tpu.memory_space<semaphore_mem>>) src(%dma_wait3A_66 : memref<128x128xf32, #tpu.memory_space<vmem_shared>>) dst(%arg10 : memref<128x128xf32, #tpu.memory_space<vmem>>)
        tpu.yield
      }) : () -> ()
      %eq3A = arith.constant 0 : i32
      %eq3A_53 = arith.cmpi eq, %arg0, %eq3A : i32
      %convert_element_type3A = arith.extui %eq3A_53 : i1 to i32
      %cond3A = arith.constant 0 : i32
      %cond3A_54 = arith.cmpi ne, %convert_element_type3A, %cond3A : i32
      scf.if %cond3A_54 {
        %dma_start3A = arith.constant 0 : i32
        %dma_start3A_61 = tpu.memref_slice %arg6[%multiple_of3A_52, %dma_start3A] : memref<10240x128xf32, #tpu.memory_space<hbm>> -> memref<128x128xf32, #tpu.memory_space<hbm>>
        %dma_start3A_62 = arith.constant 0 : i32
        %dma_start3A_63 = tpu.memref_slice %arg6[%multiple_of3A_52, %dma_start3A_62] : memref<10240x128xf32, #tpu.memory_space<hbm>> -> memref<128x128xf32, #tpu.memory_space<hbm>>
        tpu.enqueue_dma source(%arg10 : memref<128x128xf32, #tpu.memory_space<vmem>>) target(%dma_start3A_63 : memref<128x128xf32, #tpu.memory_space<hbm>>) target_semaphore(%arg11 : memref<!tpu.dma_semaphore, #tpu.memory_space<semaphore_mem>>)
        %dma_wait3A = arith.constant 0 : i32
        %dma_wait3A_64 = tpu.memref_slice %arg6[%multiple_of3A_52, %dma_wait3A] : memref<10240x128xf32, #tpu.memory_space<hbm>> -> memref<128x128xf32, #tpu.memory_space<hbm>>
        %dma_wait3A_65 = arith.constant 0 : i32
        %dma_wait3A_66 = tpu.memref_slice %arg6[%multiple_of3A_52, %dma_wait3A_65] : memref<10240x128xf32, #tpu.memory_space<hbm>> -> memref<128x128xf32, #tpu.memory_space<hbm>>
        tpu.wait_dma2 semaphore(%arg11 : memref<!tpu.dma_semaphore, #tpu.memory_space<semaphore_mem>>) src(%arg10 : memref<128x128xf32, #tpu.memory_space<vmem>>) dst(%dma_wait3A_66 : memref<128x128xf32, #tpu.memory_space<hbm>>)
      } else {
      }
      %eq3A_55 = arith.constant 1 : i32
      %eq3A_56 = arith.cmpi eq, %arg0, %eq3A_55 : i32
      %convert_element_type3A_57 = arith.extui %eq3A_56 : i1 to i32
      %cond3A_58 = arith.constant 0 : i32
      %cond3A_59 = arith.cmpi ne, %convert_element_type3A_57, %cond3A_58 : i32
      scf.if %cond3A_59 {
        %dma_start3A = arith.constant 0 : i32
        %dma_start3A_61 = tpu.memref_slice %arg7[%multiple_of3A_52, %dma_start3A] : memref<10240x128xf32, #tpu.memory_space<hbm>> -> memref<128x128xf32, #tpu.memory_space<hbm>>
        %dma_start3A_62 = arith.constant 0 : i32
        %dma_start3A_63 = tpu.memref_slice %arg7[%multiple_of3A_52, %dma_start3A_62] : memref<10240x128xf32, #tpu.memory_space<hbm>> -> memref<128x128xf32, #tpu.memory_space<hbm>>
        tpu.enqueue_dma source(%arg10 : memref<128x128xf32, #tpu.memory_space<vmem>>) target(%dma_start3A_63 : memref<128x128xf32, #tpu.memory_space<hbm>>) target_semaphore(%arg11 : memref<!tpu.dma_semaphore, #tpu.memory_space<semaphore_mem>>)
        %dma_wait3A = arith.constant 0 : i32
        %dma_wait3A_64 = tpu.memref_slice %arg7[%multiple_of3A_52, %dma_wait3A] : memref<10240x128xf32, #tpu.memory_space<hbm>> -> memref<128x128xf32, #tpu.memory_space<hbm>>
        %dma_wait3A_65 = arith.constant 0 : i32
        %dma_wait3A_66 = tpu.memref_slice %arg7[%multiple_of3A_52, %dma_wait3A_65] : memref<10240x128xf32, #tpu.memory_space<hbm>> -> memref<128x128xf32, #tpu.memory_space<hbm>>
        tpu.wait_dma2 semaphore(%arg11 : memref<!tpu.dma_semaphore, #tpu.memory_space<semaphore_mem>>) src(%arg10 : memref<128x128xf32, #tpu.memory_space<vmem>>) dst(%dma_wait3A_66 : memref<128x128xf32, #tpu.memory_space<hbm>>)
      } else {
      }
      %scan3A_60 = arith.constant 0 : i32
      scf.yield %scan3A_60 : i32
    }
    %scan3A_46 = arith.constant 5 : i32
    return
  }
}

#map = affine_map<(d0, d1) -> (0, 0)>
#map1 = affine_map<(d0, d1) -> (0)>
module attributes {stable_mosaic.version = 14 : i64} {
  func.func @_gather_body(%arg0: i32, %arg1: i32, %arg2: memref<10000x128xf32, #tpu.memory_space<hbm>>, %arg3: memref<10000x128xf32, #tpu.memory_space<hbm>>, %arg4: memref<10000x128xf32, #tpu.memory_space<hbm>>, %arg5: memref<320000xi32, #tpu.memory_space<hbm>>, %arg6: memref<320000xi32, #tpu.memory_space<hbm>>, %arg7: memref<320000x128xf32, #tpu.memory_space<hbm>>, %arg8: memref<320000x128xf32, #tpu.memory_space<hbm>>, %arg9: memref<320000x128xf32, #tpu.memory_space<hbm>>, %arg10: memref<128xi32, #tpu.memory_space<vmem>>, %arg11: memref<128xi32, #tpu.memory_space<vmem>>, %arg12: memref<128x128xf32, #tpu.memory_space<vmem>>, %arg13: memref<128x128xf32, #tpu.memory_space<vmem>>, %arg14: memref<128x128xf32, #tpu.memory_space<vmem>>, %arg15: memref<!tpu.dma_semaphore, #tpu.memory_space<semaphore_mem>>) attributes {dimension_semantics = [#tpu.dimension_semantics<core_parallel>, #tpu.dimension_semantics<subcore_parallel>], iteration_bounds = array<i64: 2, 16>, scalar_prefetch = 0 : i64, scratch_operands = 6 : i64, tpu.core_type = #tpu.core_type<sc_vector_subcore>, window_params = [{transform_indices = #map}, {transform_indices = #map}, {transform_indices = #map}, {transform_indices = #map1}, {transform_indices = #map1}, {transform_indices = #map}, {transform_indices = #map}, {transform_indices = #map}]} {
    %mul3A = arith.constant 2 : i32
    %mul3A_0 = arith.muli %arg1, %mul3A : i32
    %add3A = arith.addi %mul3A_0, %arg0 : i32
    %sub3A = arith.constant 2500 : i32
    %sub3A_1 = arith.subi %sub3A, %add3A : i32
    %add3A_2 = arith.constant 32 : i32
    %add3A_3 = arith.addi %sub3A_1, %add3A_2 : i32
    %sub3A_4 = arith.constant 1 : i32
    %sub3A_5 = arith.subi %add3A_3, %sub3A_4 : i32
    %jit3A = arith.constant 32 : i32
    %div3A = arith.divsi %sub3A_5, %jit3A : i32
    %sign3A = arith.constant 0 : i32
    %sign3A_6 = arith.cmpi sgt, %sub3A_5, %sign3A : i32
    %sign3A_7 = arith.extui %sign3A_6 : i1 to i32
    %sign3A_8 = arith.constant 0 : i32
    %sign3A_9 = arith.cmpi slt, %sub3A_5, %sign3A_8 : i32
    %sign3A_10 = arith.extui %sign3A_9 : i1 to i32
    %sign3A_11 = arith.subi %sign3A_7, %sign3A_10 : i32
    %sign3A_12 = arith.constant 0 : i32
    %sign3A_13 = arith.cmpi sgt, %jit3A, %sign3A_12 : i32
    %sign3A_14 = arith.extui %sign3A_13 : i1 to i32
    %sign3A_15 = arith.constant 0 : i32
    %sign3A_16 = arith.cmpi slt, %jit3A, %sign3A_15 : i32
    %sign3A_17 = arith.extui %sign3A_16 : i1 to i32
    %sign3A_18 = arith.subi %sign3A_14, %sign3A_17 : i32
    %ne3A = arith.cmpi ne, %sign3A_11, %sign3A_18 : i32
    %rem3A = arith.remsi %sub3A_5, %jit3A : i32
    %ne3A_19 = arith.constant 0 : i32
    %ne3A_20 = arith.cmpi ne, %rem3A, %ne3A_19 : i32
    %and3A = arith.andi %ne3A, %ne3A_20 : i1
    %sub3A_21 = arith.constant 1 : i32
    %sub3A_22 = arith.subi %div3A, %sub3A_21 : i32
    %select_n3A = arith.select %and3A, %sub3A_22, %div3A : i32
    %while3A = arith.constant 0 : i32
    %while3A_23 = arith.constant 0 : i32
    %while3A_24 = arith.subi %select_n3A, %while3A : i32
    %while3A_25 = arith.addi %while3A, %while3A_24 : i32
    %while3A_26 = arith.constant 1 : i32
    %while3A_27 = arith.divsi %while3A_24, %while3A_26 : i32
    %while3A_28 = arith.muli %while3A_27, %while3A_26 : i32
    %while3A_29 = arith.addi %while3A, %while3A_28 : i32
    %while3A_30 = arith.constant 1 : i32
    %while3A_31 = scf.for %while3A_34 = %while3A to %while3A_29 step %while3A_30 iter_args(%while3A_35 = %while3A_23) -> (i32)  : i32 {
      %mul3A_36 = arith.constant 32 : i32
      %mul3A_37 = arith.muli %mul3A_36, %while3A_34 : i32
      %add3A_38 = arith.addi %add3A, %mul3A_37 : i32
      %mul3A_39 = arith.constant 128 : i32
      %mul3A_40 = arith.muli %add3A_38, %mul3A_39 : i32
      %multiple_of3A = tpu.assume_multiple %mul3A_40, 128 : i32
      %dma_start3A = tpu.memref_slice %arg5[%multiple_of3A] : memref<320000xi32, #tpu.memory_space<hbm>> -> memref<128xi32, #tpu.memory_space<hbm>>
      %dma_start3A_41 = tpu.memref_slice %arg5[%multiple_of3A] : memref<320000xi32, #tpu.memory_space<hbm>> -> memref<128xi32, #tpu.memory_space<hbm>>
      tpu.enqueue_dma source(%dma_start3A_41 : memref<128xi32, #tpu.memory_space<hbm>>) target(%arg10 : memref<128xi32, #tpu.memory_space<vmem>>) target_semaphore(%arg15 : memref<!tpu.dma_semaphore, #tpu.memory_space<semaphore_mem>>)
      %dma_start3A_42 = tpu.memref_slice %arg6[%multiple_of3A] : memref<320000xi32, #tpu.memory_space<hbm>> -> memref<128xi32, #tpu.memory_space<hbm>>
      %dma_start3A_43 = tpu.memref_slice %arg6[%multiple_of3A] : memref<320000xi32, #tpu.memory_space<hbm>> -> memref<128xi32, #tpu.memory_space<hbm>>
      tpu.enqueue_dma source(%dma_start3A_43 : memref<128xi32, #tpu.memory_space<hbm>>) target(%arg11 : memref<128xi32, #tpu.memory_space<vmem>>) target_semaphore(%arg15 : memref<!tpu.dma_semaphore, #tpu.memory_space<semaphore_mem>>)
      %dma_wait3A = tpu.memref_slice %arg5[%multiple_of3A] : memref<320000xi32, #tpu.memory_space<hbm>> -> memref<128xi32, #tpu.memory_space<hbm>>
      %dma_wait3A_44 = tpu.memref_slice %arg5[%multiple_of3A] : memref<320000xi32, #tpu.memory_space<hbm>> -> memref<128xi32, #tpu.memory_space<hbm>>
      tpu.wait_dma2 semaphore(%arg15 : memref<!tpu.dma_semaphore, #tpu.memory_space<semaphore_mem>>) src(%dma_wait3A_44 : memref<128xi32, #tpu.memory_space<hbm>>) dst(%arg10 : memref<128xi32, #tpu.memory_space<vmem>>)
      %dma_wait3A_45 = tpu.memref_slice %arg6[%multiple_of3A] : memref<320000xi32, #tpu.memory_space<hbm>> -> memref<128xi32, #tpu.memory_space<hbm>>
      %dma_wait3A_46 = tpu.memref_slice %arg6[%multiple_of3A] : memref<320000xi32, #tpu.memory_space<hbm>> -> memref<128xi32, #tpu.memory_space<hbm>>
      tpu.wait_dma2 semaphore(%arg15 : memref<!tpu.dma_semaphore, #tpu.memory_space<semaphore_mem>>) src(%dma_wait3A_46 : memref<128xi32, #tpu.memory_space<hbm>>) dst(%arg11 : memref<128xi32, #tpu.memory_space<vmem>>)
      %dma_start3A_47 = arith.constant 0 : i32
      %dma_start3A_48 = arith.constant 0 : i32
      %dma_start3A_49 = tpu.memref_slice %arg2[%dma_start3A_47, %dma_start3A_48] : memref<10000x128xf32, #tpu.memory_space<hbm>> -> memref<10000x128xf32, #tpu.memory_space<hbm>>
      tpu.enqueue_indirect_dma source(%dma_start3A_49 : memref<10000x128xf32, #tpu.memory_space<hbm>>) target(%arg12 : memref<128x128xf32, #tpu.memory_space<vmem>>) offsets(%arg10 : memref<128xi32, #tpu.memory_space<vmem>>) semaphore(%arg15 : memref<!tpu.dma_semaphore, #tpu.memory_space<semaphore_mem>>)
      %dma_start3A_50 = arith.constant 0 : i32
      %dma_start3A_51 = arith.constant 0 : i32
      %dma_start3A_52 = tpu.memref_slice %arg3[%dma_start3A_50, %dma_start3A_51] : memref<10000x128xf32, #tpu.memory_space<hbm>> -> memref<10000x128xf32, #tpu.memory_space<hbm>>
      tpu.enqueue_indirect_dma source(%dma_start3A_52 : memref<10000x128xf32, #tpu.memory_space<hbm>>) target(%arg13 : memref<128x128xf32, #tpu.memory_space<vmem>>) offsets(%arg11 : memref<128xi32, #tpu.memory_space<vmem>>) semaphore(%arg15 : memref<!tpu.dma_semaphore, #tpu.memory_space<semaphore_mem>>)
      %dma_start3A_53 = arith.constant 0 : i32
      %dma_start3A_54 = arith.constant 0 : i32
      %dma_start3A_55 = tpu.memref_slice %arg4[%dma_start3A_53, %dma_start3A_54] : memref<10000x128xf32, #tpu.memory_space<hbm>> -> memref<10000x128xf32, #tpu.memory_space<hbm>>
      tpu.enqueue_indirect_dma source(%dma_start3A_55 : memref<10000x128xf32, #tpu.memory_space<hbm>>) target(%arg14 : memref<128x128xf32, #tpu.memory_space<vmem>>) offsets(%arg10 : memref<128xi32, #tpu.memory_space<vmem>>) semaphore(%arg15 : memref<!tpu.dma_semaphore, #tpu.memory_space<semaphore_mem>>)
      %dma_wait3A_56 = arith.constant 0 : i32
      %dma_wait3A_57 = arith.constant 0 : i32
      %dma_wait3A_58 = tpu.memref_slice %arg2[%dma_wait3A_56, %dma_wait3A_57] : memref<10000x128xf32, #tpu.memory_space<hbm>> -> memref<10000x128xf32, #tpu.memory_space<hbm>>
      tpu.wait_indirect_dma semaphore(%arg15 : memref<!tpu.dma_semaphore, #tpu.memory_space<semaphore_mem>>) src(%dma_wait3A_58 : memref<10000x128xf32, #tpu.memory_space<hbm>>) dst(%arg12 : memref<128x128xf32, #tpu.memory_space<vmem>>)
      %dma_wait3A_59 = arith.constant 0 : i32
      %dma_wait3A_60 = arith.constant 0 : i32
      %dma_wait3A_61 = tpu.memref_slice %arg3[%dma_wait3A_59, %dma_wait3A_60] : memref<10000x128xf32, #tpu.memory_space<hbm>> -> memref<10000x128xf32, #tpu.memory_space<hbm>>
      tpu.wait_indirect_dma semaphore(%arg15 : memref<!tpu.dma_semaphore, #tpu.memory_space<semaphore_mem>>) src(%dma_wait3A_61 : memref<10000x128xf32, #tpu.memory_space<hbm>>) dst(%arg13 : memref<128x128xf32, #tpu.memory_space<vmem>>)
      %dma_wait3A_62 = arith.constant 0 : i32
      %dma_wait3A_63 = arith.constant 0 : i32
      %dma_wait3A_64 = tpu.memref_slice %arg4[%dma_wait3A_62, %dma_wait3A_63] : memref<10000x128xf32, #tpu.memory_space<hbm>> -> memref<10000x128xf32, #tpu.memory_space<hbm>>
      tpu.wait_indirect_dma semaphore(%arg15 : memref<!tpu.dma_semaphore, #tpu.memory_space<semaphore_mem>>) src(%dma_wait3A_64 : memref<10000x128xf32, #tpu.memory_space<hbm>>) dst(%arg14 : memref<128x128xf32, #tpu.memory_space<vmem>>)
      %dma_start3A_65 = arith.constant 0 : i32
      %dma_start3A_66 = tpu.memref_slice %arg7[%multiple_of3A, %dma_start3A_65] : memref<320000x128xf32, #tpu.memory_space<hbm>> -> memref<128x128xf32, #tpu.memory_space<hbm>>
      %dma_start3A_67 = arith.constant 0 : i32
      %dma_start3A_68 = tpu.memref_slice %arg7[%multiple_of3A, %dma_start3A_67] : memref<320000x128xf32, #tpu.memory_space<hbm>> -> memref<128x128xf32, #tpu.memory_space<hbm>>
      tpu.enqueue_dma source(%arg12 : memref<128x128xf32, #tpu.memory_space<vmem>>) target(%dma_start3A_68 : memref<128x128xf32, #tpu.memory_space<hbm>>) target_semaphore(%arg15 : memref<!tpu.dma_semaphore, #tpu.memory_space<semaphore_mem>>)
      %dma_start3A_69 = arith.constant 0 : i32
      %dma_start3A_70 = tpu.memref_slice %arg8[%multiple_of3A, %dma_start3A_69] : memref<320000x128xf32, #tpu.memory_space<hbm>> -> memref<128x128xf32, #tpu.memory_space<hbm>>
      %dma_start3A_71 = arith.constant 0 : i32
      %dma_start3A_72 = tpu.memref_slice %arg8[%multiple_of3A, %dma_start3A_71] : memref<320000x128xf32, #tpu.memory_space<hbm>> -> memref<128x128xf32, #tpu.memory_space<hbm>>
      tpu.enqueue_dma source(%arg13 : memref<128x128xf32, #tpu.memory_space<vmem>>) target(%dma_start3A_72 : memref<128x128xf32, #tpu.memory_space<hbm>>) target_semaphore(%arg15 : memref<!tpu.dma_semaphore, #tpu.memory_space<semaphore_mem>>)
      %dma_start3A_73 = arith.constant 0 : i32
      %dma_start3A_74 = tpu.memref_slice %arg9[%multiple_of3A, %dma_start3A_73] : memref<320000x128xf32, #tpu.memory_space<hbm>> -> memref<128x128xf32, #tpu.memory_space<hbm>>
      %dma_start3A_75 = arith.constant 0 : i32
      %dma_start3A_76 = tpu.memref_slice %arg9[%multiple_of3A, %dma_start3A_75] : memref<320000x128xf32, #tpu.memory_space<hbm>> -> memref<128x128xf32, #tpu.memory_space<hbm>>
      tpu.enqueue_dma source(%arg14 : memref<128x128xf32, #tpu.memory_space<vmem>>) target(%dma_start3A_76 : memref<128x128xf32, #tpu.memory_space<hbm>>) target_semaphore(%arg15 : memref<!tpu.dma_semaphore, #tpu.memory_space<semaphore_mem>>)
      %dma_wait3A_77 = arith.constant 0 : i32
      %dma_wait3A_78 = tpu.memref_slice %arg7[%multiple_of3A, %dma_wait3A_77] : memref<320000x128xf32, #tpu.memory_space<hbm>> -> memref<128x128xf32, #tpu.memory_space<hbm>>
      %dma_wait3A_79 = arith.constant 0 : i32
      %dma_wait3A_80 = tpu.memref_slice %arg7[%multiple_of3A, %dma_wait3A_79] : memref<320000x128xf32, #tpu.memory_space<hbm>> -> memref<128x128xf32, #tpu.memory_space<hbm>>
      tpu.wait_dma2 semaphore(%arg15 : memref<!tpu.dma_semaphore, #tpu.memory_space<semaphore_mem>>) src(%arg12 : memref<128x128xf32, #tpu.memory_space<vmem>>) dst(%dma_wait3A_80 : memref<128x128xf32, #tpu.memory_space<hbm>>)
      %dma_wait3A_81 = arith.constant 0 : i32
      %dma_wait3A_82 = tpu.memref_slice %arg8[%multiple_of3A, %dma_wait3A_81] : memref<320000x128xf32, #tpu.memory_space<hbm>> -> memref<128x128xf32, #tpu.memory_space<hbm>>
      %dma_wait3A_83 = arith.constant 0 : i32
      %dma_wait3A_84 = tpu.memref_slice %arg8[%multiple_of3A, %dma_wait3A_83] : memref<320000x128xf32, #tpu.memory_space<hbm>> -> memref<128x128xf32, #tpu.memory_space<hbm>>
      tpu.wait_dma2 semaphore(%arg15 : memref<!tpu.dma_semaphore, #tpu.memory_space<semaphore_mem>>) src(%arg13 : memref<128x128xf32, #tpu.memory_space<vmem>>) dst(%dma_wait3A_84 : memref<128x128xf32, #tpu.memory_space<hbm>>)
      %dma_wait3A_85 = arith.constant 0 : i32
      %dma_wait3A_86 = tpu.memref_slice %arg9[%multiple_of3A, %dma_wait3A_85] : memref<320000x128xf32, #tpu.memory_space<hbm>> -> memref<128x128xf32, #tpu.memory_space<hbm>>
      %dma_wait3A_87 = arith.constant 0 : i32
      %dma_wait3A_88 = tpu.memref_slice %arg9[%multiple_of3A, %dma_wait3A_87] : memref<320000x128xf32, #tpu.memory_space<hbm>> -> memref<128x128xf32, #tpu.memory_space<hbm>>
      tpu.wait_dma2 semaphore(%arg15 : memref<!tpu.dma_semaphore, #tpu.memory_space<semaphore_mem>>) src(%arg14 : memref<128x128xf32, #tpu.memory_space<vmem>>) dst(%dma_wait3A_88 : memref<128x128xf32, #tpu.memory_space<hbm>>)
      %while3A_89 = arith.constant 0 : i32
      scf.yield %while3A_89 : i32
    }
    %while3A_32 = arith.constant 1 : i32
    %while3A_33 = scf.for %while3A_34 = %while3A_29 to %while3A_25 step %while3A_32 iter_args(%while3A_35 = %while3A_31) -> (i32)  : i32 {
      %mul3A_36 = arith.constant 32 : i32
      %mul3A_37 = arith.muli %mul3A_36, %while3A_34 : i32
      %add3A_38 = arith.addi %add3A, %mul3A_37 : i32
      %mul3A_39 = arith.constant 128 : i32
      %mul3A_40 = arith.muli %add3A_38, %mul3A_39 : i32
      %multiple_of3A = tpu.assume_multiple %mul3A_40, 128 : i32
      %dma_start3A = tpu.memref_slice %arg5[%multiple_of3A] : memref<320000xi32, #tpu.memory_space<hbm>> -> memref<128xi32, #tpu.memory_space<hbm>>
      %dma_start3A_41 = tpu.memref_slice %arg5[%multiple_of3A] : memref<320000xi32, #tpu.memory_space<hbm>> -> memref<128xi32, #tpu.memory_space<hbm>>
      tpu.enqueue_dma source(%dma_start3A_41 : memref<128xi32, #tpu.memory_space<hbm>>) target(%arg10 : memref<128xi32, #tpu.memory_space<vmem>>) target_semaphore(%arg15 : memref<!tpu.dma_semaphore, #tpu.memory_space<semaphore_mem>>)
      %dma_start3A_42 = tpu.memref_slice %arg6[%multiple_of3A] : memref<320000xi32, #tpu.memory_space<hbm>> -> memref<128xi32, #tpu.memory_space<hbm>>
      %dma_start3A_43 = tpu.memref_slice %arg6[%multiple_of3A] : memref<320000xi32, #tpu.memory_space<hbm>> -> memref<128xi32, #tpu.memory_space<hbm>>
      tpu.enqueue_dma source(%dma_start3A_43 : memref<128xi32, #tpu.memory_space<hbm>>) target(%arg11 : memref<128xi32, #tpu.memory_space<vmem>>) target_semaphore(%arg15 : memref<!tpu.dma_semaphore, #tpu.memory_space<semaphore_mem>>)
      %dma_wait3A = tpu.memref_slice %arg5[%multiple_of3A] : memref<320000xi32, #tpu.memory_space<hbm>> -> memref<128xi32, #tpu.memory_space<hbm>>
      %dma_wait3A_44 = tpu.memref_slice %arg5[%multiple_of3A] : memref<320000xi32, #tpu.memory_space<hbm>> -> memref<128xi32, #tpu.memory_space<hbm>>
      tpu.wait_dma2 semaphore(%arg15 : memref<!tpu.dma_semaphore, #tpu.memory_space<semaphore_mem>>) src(%dma_wait3A_44 : memref<128xi32, #tpu.memory_space<hbm>>) dst(%arg10 : memref<128xi32, #tpu.memory_space<vmem>>)
      %dma_wait3A_45 = tpu.memref_slice %arg6[%multiple_of3A] : memref<320000xi32, #tpu.memory_space<hbm>> -> memref<128xi32, #tpu.memory_space<hbm>>
      %dma_wait3A_46 = tpu.memref_slice %arg6[%multiple_of3A] : memref<320000xi32, #tpu.memory_space<hbm>> -> memref<128xi32, #tpu.memory_space<hbm>>
      tpu.wait_dma2 semaphore(%arg15 : memref<!tpu.dma_semaphore, #tpu.memory_space<semaphore_mem>>) src(%dma_wait3A_46 : memref<128xi32, #tpu.memory_space<hbm>>) dst(%arg11 : memref<128xi32, #tpu.memory_space<vmem>>)
      %dma_start3A_47 = arith.constant 0 : i32
      %dma_start3A_48 = arith.constant 0 : i32
      %dma_start3A_49 = tpu.memref_slice %arg2[%dma_start3A_47, %dma_start3A_48] : memref<10000x128xf32, #tpu.memory_space<hbm>> -> memref<10000x128xf32, #tpu.memory_space<hbm>>
      tpu.enqueue_indirect_dma source(%dma_start3A_49 : memref<10000x128xf32, #tpu.memory_space<hbm>>) target(%arg12 : memref<128x128xf32, #tpu.memory_space<vmem>>) offsets(%arg10 : memref<128xi32, #tpu.memory_space<vmem>>) semaphore(%arg15 : memref<!tpu.dma_semaphore, #tpu.memory_space<semaphore_mem>>)
      %dma_start3A_50 = arith.constant 0 : i32
      %dma_start3A_51 = arith.constant 0 : i32
      %dma_start3A_52 = tpu.memref_slice %arg3[%dma_start3A_50, %dma_start3A_51] : memref<10000x128xf32, #tpu.memory_space<hbm>> -> memref<10000x128xf32, #tpu.memory_space<hbm>>
      tpu.enqueue_indirect_dma source(%dma_start3A_52 : memref<10000x128xf32, #tpu.memory_space<hbm>>) target(%arg13 : memref<128x128xf32, #tpu.memory_space<vmem>>) offsets(%arg11 : memref<128xi32, #tpu.memory_space<vmem>>) semaphore(%arg15 : memref<!tpu.dma_semaphore, #tpu.memory_space<semaphore_mem>>)
      %dma_start3A_53 = arith.constant 0 : i32
      %dma_start3A_54 = arith.constant 0 : i32
      %dma_start3A_55 = tpu.memref_slice %arg4[%dma_start3A_53, %dma_start3A_54] : memref<10000x128xf32, #tpu.memory_space<hbm>> -> memref<10000x128xf32, #tpu.memory_space<hbm>>
      tpu.enqueue_indirect_dma source(%dma_start3A_55 : memref<10000x128xf32, #tpu.memory_space<hbm>>) target(%arg14 : memref<128x128xf32, #tpu.memory_space<vmem>>) offsets(%arg10 : memref<128xi32, #tpu.memory_space<vmem>>) semaphore(%arg15 : memref<!tpu.dma_semaphore, #tpu.memory_space<semaphore_mem>>)
      %dma_wait3A_56 = arith.constant 0 : i32
      %dma_wait3A_57 = arith.constant 0 : i32
      %dma_wait3A_58 = tpu.memref_slice %arg2[%dma_wait3A_56, %dma_wait3A_57] : memref<10000x128xf32, #tpu.memory_space<hbm>> -> memref<10000x128xf32, #tpu.memory_space<hbm>>
      tpu.wait_indirect_dma semaphore(%arg15 : memref<!tpu.dma_semaphore, #tpu.memory_space<semaphore_mem>>) src(%dma_wait3A_58 : memref<10000x128xf32, #tpu.memory_space<hbm>>) dst(%arg12 : memref<128x128xf32, #tpu.memory_space<vmem>>)
      %dma_wait3A_59 = arith.constant 0 : i32
      %dma_wait3A_60 = arith.constant 0 : i32
      %dma_wait3A_61 = tpu.memref_slice %arg3[%dma_wait3A_59, %dma_wait3A_60] : memref<10000x128xf32, #tpu.memory_space<hbm>> -> memref<10000x128xf32, #tpu.memory_space<hbm>>
      tpu.wait_indirect_dma semaphore(%arg15 : memref<!tpu.dma_semaphore, #tpu.memory_space<semaphore_mem>>) src(%dma_wait3A_61 : memref<10000x128xf32, #tpu.memory_space<hbm>>) dst(%arg13 : memref<128x128xf32, #tpu.memory_space<vmem>>)
      %dma_wait3A_62 = arith.constant 0 : i32
      %dma_wait3A_63 = arith.constant 0 : i32
      %dma_wait3A_64 = tpu.memref_slice %arg4[%dma_wait3A_62, %dma_wait3A_63] : memref<10000x128xf32, #tpu.memory_space<hbm>> -> memref<10000x128xf32, #tpu.memory_space<hbm>>
      tpu.wait_indirect_dma semaphore(%arg15 : memref<!tpu.dma_semaphore, #tpu.memory_space<semaphore_mem>>) src(%dma_wait3A_64 : memref<10000x128xf32, #tpu.memory_space<hbm>>) dst(%arg14 : memref<128x128xf32, #tpu.memory_space<vmem>>)
      %dma_start3A_65 = arith.constant 0 : i32
      %dma_start3A_66 = tpu.memref_slice %arg7[%multiple_of3A, %dma_start3A_65] : memref<320000x128xf32, #tpu.memory_space<hbm>> -> memref<128x128xf32, #tpu.memory_space<hbm>>
      %dma_start3A_67 = arith.constant 0 : i32
      %dma_start3A_68 = tpu.memref_slice %arg7[%multiple_of3A, %dma_start3A_67] : memref<320000x128xf32, #tpu.memory_space<hbm>> -> memref<128x128xf32, #tpu.memory_space<hbm>>
      tpu.enqueue_dma source(%arg12 : memref<128x128xf32, #tpu.memory_space<vmem>>) target(%dma_start3A_68 : memref<128x128xf32, #tpu.memory_space<hbm>>) target_semaphore(%arg15 : memref<!tpu.dma_semaphore, #tpu.memory_space<semaphore_mem>>)
      %dma_start3A_69 = arith.constant 0 : i32
      %dma_start3A_70 = tpu.memref_slice %arg8[%multiple_of3A, %dma_start3A_69] : memref<320000x128xf32, #tpu.memory_space<hbm>> -> memref<128x128xf32, #tpu.memory_space<hbm>>
      %dma_start3A_71 = arith.constant 0 : i32
      %dma_start3A_72 = tpu.memref_slice %arg8[%multiple_of3A, %dma_start3A_71] : memref<320000x128xf32, #tpu.memory_space<hbm>> -> memref<128x128xf32, #tpu.memory_space<hbm>>
      tpu.enqueue_dma source(%arg13 : memref<128x128xf32, #tpu.memory_space<vmem>>) target(%dma_start3A_72 : memref<128x128xf32, #tpu.memory_space<hbm>>) target_semaphore(%arg15 : memref<!tpu.dma_semaphore, #tpu.memory_space<semaphore_mem>>)
      %dma_start3A_73 = arith.constant 0 : i32
      %dma_start3A_74 = tpu.memref_slice %arg9[%multiple_of3A, %dma_start3A_73] : memref<320000x128xf32, #tpu.memory_space<hbm>> -> memref<128x128xf32, #tpu.memory_space<hbm>>
      %dma_start3A_75 = arith.constant 0 : i32
      %dma_start3A_76 = tpu.memref_slice %arg9[%multiple_of3A, %dma_start3A_75] : memref<320000x128xf32, #tpu.memory_space<hbm>> -> memref<128x128xf32, #tpu.memory_space<hbm>>
      tpu.enqueue_dma source(%arg14 : memref<128x128xf32, #tpu.memory_space<vmem>>) target(%dma_start3A_76 : memref<128x128xf32, #tpu.memory_space<hbm>>) target_semaphore(%arg15 : memref<!tpu.dma_semaphore, #tpu.memory_space<semaphore_mem>>)
      %dma_wait3A_77 = arith.constant 0 : i32
      %dma_wait3A_78 = tpu.memref_slice %arg7[%multiple_of3A, %dma_wait3A_77] : memref<320000x128xf32, #tpu.memory_space<hbm>> -> memref<128x128xf32, #tpu.memory_space<hbm>>
      %dma_wait3A_79 = arith.constant 0 : i32
      %dma_wait3A_80 = tpu.memref_slice %arg7[%multiple_of3A, %dma_wait3A_79] : memref<320000x128xf32, #tpu.memory_space<hbm>> -> memref<128x128xf32, #tpu.memory_space<hbm>>
      tpu.wait_dma2 semaphore(%arg15 : memref<!tpu.dma_semaphore, #tpu.memory_space<semaphore_mem>>) src(%arg12 : memref<128x128xf32, #tpu.memory_space<vmem>>) dst(%dma_wait3A_80 : memref<128x128xf32, #tpu.memory_space<hbm>>)
      %dma_wait3A_81 = arith.constant 0 : i32
      %dma_wait3A_82 = tpu.memref_slice %arg8[%multiple_of3A, %dma_wait3A_81] : memref<320000x128xf32, #tpu.memory_space<hbm>> -> memref<128x128xf32, #tpu.memory_space<hbm>>
      %dma_wait3A_83 = arith.constant 0 : i32
      %dma_wait3A_84 = tpu.memref_slice %arg8[%multiple_of3A, %dma_wait3A_83] : memref<320000x128xf32, #tpu.memory_space<hbm>> -> memref<128x128xf32, #tpu.memory_space<hbm>>
      tpu.wait_dma2 semaphore(%arg15 : memref<!tpu.dma_semaphore, #tpu.memory_space<semaphore_mem>>) src(%arg13 : memref<128x128xf32, #tpu.memory_space<vmem>>) dst(%dma_wait3A_84 : memref<128x128xf32, #tpu.memory_space<hbm>>)
      %dma_wait3A_85 = arith.constant 0 : i32
      %dma_wait3A_86 = tpu.memref_slice %arg9[%multiple_of3A, %dma_wait3A_85] : memref<320000x128xf32, #tpu.memory_space<hbm>> -> memref<128x128xf32, #tpu.memory_space<hbm>>
      %dma_wait3A_87 = arith.constant 0 : i32
      %dma_wait3A_88 = tpu.memref_slice %arg9[%multiple_of3A, %dma_wait3A_87] : memref<320000x128xf32, #tpu.memory_space<hbm>> -> memref<128x128xf32, #tpu.memory_space<hbm>>
      tpu.wait_dma2 semaphore(%arg15 : memref<!tpu.dma_semaphore, #tpu.memory_space<semaphore_mem>>) src(%arg14 : memref<128x128xf32, #tpu.memory_space<vmem>>) dst(%dma_wait3A_88 : memref<128x128xf32, #tpu.memory_space<hbm>>)
      %while3A_89 = arith.constant 0 : i32
      scf.yield %while3A_89 : i32
    }
    return
  }
}

module attributes {stable_mosaic.version = 14 : i64} {
  func.func @_qkv_body(%arg0: i32, %arg1: memref<2000x128xf32, #tpu.memory_space<vmem>>, %arg2: memref<128x384xf32, #tpu.memory_space<vmem>>, %arg3: memref<1x384xf32, #tpu.memory_space<vmem>>, %arg4: memref<2000x128xf32, #tpu.memory_space<vmem>>, %arg5: memref<2000x128xf32, #tpu.memory_space<vmem>>, %arg6: memref<2000x128xf32, #tpu.memory_space<vmem>>) attributes {dimension_semantics = [#tpu.dimension_semantics<arbitrary>], iteration_bounds = array<i64: 5>, scalar_prefetch = 0 : i64, scratch_operands = 0 : i64, tpu.core_type = #tpu.core_type<tc>, window_params = [{transform_indices = @transform_0, window_bounds = array<i64: 2000, 128>}, {pipeline_mode = #tpu.pipeline_mode<synchronous>, transform_indices = @transform_1, window_bounds = array<i64: 128, 384>}, {pipeline_mode = #tpu.pipeline_mode<synchronous>, transform_indices = @transform_2, window_bounds = array<i64: 1, 384>}, {transform_indices = @transform_3, window_bounds = array<i64: 2000, 128>}, {transform_indices = @transform_4, window_bounds = array<i64: 2000, 128>}, {transform_indices = @transform_5, window_bounds = array<i64: 2000, 128>}]} {
    %get3A = arith.constant 0 : index
    %get3A_0 = arith.constant 0 : index
    %get3A_1 = vector.load %arg1[%get3A, %get3A_0] : memref<2000x128xf32, #tpu.memory_space<vmem>>, vector<2000x128xf32>
    %get3A_2 = arith.constant 0 : index
    %get3A_3 = arith.constant 0 : index
    %get3A_4 = vector.load %arg2[%get3A_2, %get3A_3] : memref<128x384xf32, #tpu.memory_space<vmem>>, vector<128x384xf32>
    %dot_general3A = arith.constant dense<0.000000e+00> : vector<2000x384xf32>
    %dot_general3A_5 = tpu.matmul %get3A_1, %get3A_4, %dot_general3A {dimension_numbers = #tpu.dot_dimension_numbers<[1], [0], [0], [1], [0, 0, 1, 1], [], []>, transpose_lhs_hint = false} : vector<2000x128xf32>, vector<128x384xf32>, vector<2000x384xf32> -> vector<2000x384xf32>
    %get3A_6 = arith.constant 0 : index
    %get3A_7 = arith.constant 0 : index
    %get3A_8 = vector.load %arg3[%get3A_6, %get3A_7] : memref<1x384xf32, #tpu.memory_space<vmem>>, vector<1x384xf32>
    %add3A = vector.broadcast %get3A_8 : vector<1x384xf32> to vector<2000x384xf32>
    %add3A_9 = arith.addf %dot_general3A_5, %add3A : vector<2000x384xf32>
    %slice3A = vector.extract_strided_slice %add3A_9 {offsets = [0, 0], sizes = [2000, 128], strides = [1, 1]} : vector<2000x384xf32> to vector<2000x128xf32>
    %swap3A = arith.constant 0 : index
    %swap3A_10 = arith.constant 0 : index
    %swap3A_11 = vector.load %arg4[%swap3A, %swap3A_10] : memref<2000x128xf32, #tpu.memory_space<vmem>>, vector<2000x128xf32>
    tpu.vector_store %arg4[%swap3A, %swap3A_10], %slice3A {strides = array<i32>} : memref<2000x128xf32, #tpu.memory_space<vmem>>, vector<2000x128xf32>,
    %slice3A_12 = vector.extract_strided_slice %add3A_9 {offsets = [0, 128], sizes = [2000, 128], strides = [1, 1]} : vector<2000x384xf32> to vector<2000x128xf32>
    %swap3A_13 = arith.constant 0 : index
    %swap3A_14 = arith.constant 0 : index
    %swap3A_15 = vector.load %arg5[%swap3A_13, %swap3A_14] : memref<2000x128xf32, #tpu.memory_space<vmem>>, vector<2000x128xf32>
    tpu.vector_store %arg5[%swap3A_13, %swap3A_14], %slice3A_12 {strides = array<i32>} : memref<2000x128xf32, #tpu.memory_space<vmem>>, vector<2000x128xf32>,
    %slice3A_16 = vector.extract_strided_slice %add3A_9 {offsets = [0, 256], sizes = [2000, 128], strides = [1, 1]} : vector<2000x384xf32> to vector<2000x128xf32>
    %swap3A_17 = arith.constant 0 : index
    %swap3A_18 = arith.constant 0 : index
    %swap3A_19 = vector.load %arg6[%swap3A_17, %swap3A_18] : memref<2000x128xf32, #tpu.memory_space<vmem>>, vector<2000x128xf32>
    tpu.vector_store %arg6[%swap3A_17, %swap3A_18], %slice3A_16 {strides = array<i32>} : memref<2000x128xf32, #tpu.memory_space<vmem>>, vector<2000x128xf32>,
    return
  }
  func.func @transform_0(%arg0: i32) -> (i32, i32) {
    %c0_i32 = arith.constant 0 : i32
    %c0_i32_0 = arith.constant 0 : i32
    return %arg0, %c0_i32 : i32, i32
  }
  func.func @transform_1(%arg0: i32) -> (i32, i32) {
    %c0_i32 = arith.constant 0 : i32
    %c0_i32_0 = arith.constant 0 : i32
    %c0_i32_1 = arith.constant 0 : i32
    return %c0_i32, %c0_i32_0 : i32, i32
  }
  func.func @transform_2(%arg0: i32) -> (i32, i32) {
    %c0_i32 = arith.constant 0 : i32
    %c0_i32_0 = arith.constant 0 : i32
    %c0_i32_1 = arith.constant 0 : i32
    return %c0_i32, %c0_i32_0 : i32, i32
  }
  func.func @transform_3(%arg0: i32) -> (i32, i32) {
    %c0_i32 = arith.constant 0 : i32
    %c0_i32_0 = arith.constant 0 : i32
    return %arg0, %c0_i32 : i32, i32
  }
  func.func @transform_4(%arg0: i32) -> (i32, i32) {
    %c0_i32 = arith.constant 0 : i32
    %c0_i32_0 = arith.constant 0 : i32
    return %arg0, %c0_i32 : i32, i32
  }
  func.func @transform_5(%arg0: i32) -> (i32, i32) {
    %c0_i32 = arith.constant 0 : i32
    %c0_i32_0 = arith.constant 0 : i32
    return %arg0, %c0_i32 : i32, i32
  }
}

module attributes {stable_mosaic.version = 14 : i64} {
  func.func @_edge_body(%arg0: i32, %arg1: memref<4000x128xf32, #tpu.memory_space<vmem>>, %arg2: memref<4000x128xf32, #tpu.memory_space<vmem>>, %arg3: memref<4000x128xf32, #tpu.memory_space<vmem>>, %arg4: memref<4000x128xf32, #tpu.memory_space<vmem>>, %arg5: memref<128x128xf32, #tpu.memory_space<vmem>>, %arg6: memref<128x128xf32, #tpu.memory_space<vmem>>, %arg7: memref<1x128xf32, #tpu.memory_space<vmem>>, %arg8: memref<1x128xf32, #tpu.memory_space<vmem>>, %arg9: memref<128x128xf32, #tpu.memory_space<vmem>>, %arg10: memref<128x128xf32, #tpu.memory_space<vmem>>, %arg11: memref<4000x128xf32, #tpu.memory_space<vmem>>, %arg12: memref<4000x128xf32, #tpu.memory_space<vmem>>, %arg13: memref<4000x128xf32, #tpu.memory_space<vmem>>) attributes {dimension_semantics = [#tpu.dimension_semantics<arbitrary>], iteration_bounds = array<i64: 80>, scalar_prefetch = 0 : i64, scratch_operands = 0 : i64, tpu.core_type = #tpu.core_type<tc>, window_params = [{transform_indices = @transform_0, window_bounds = array<i64: 4000, 128>}, {transform_indices = @transform_1, window_bounds = array<i64: 4000, 128>}, {transform_indices = @transform_2, window_bounds = array<i64: 4000, 128>}, {transform_indices = @transform_3, window_bounds = array<i64: 4000, 128>}, {pipeline_mode = #tpu.pipeline_mode<synchronous>, transform_indices = @transform_4, window_bounds = array<i64: 128, 128>}, {pipeline_mode = #tpu.pipeline_mode<synchronous>, transform_indices = @transform_5, window_bounds = array<i64: 128, 128>}, {pipeline_mode = #tpu.pipeline_mode<synchronous>, transform_indices = @transform_6, window_bounds = array<i64: 1, 128>}, {pipeline_mode = #tpu.pipeline_mode<synchronous>, transform_indices = @transform_7, window_bounds = array<i64: 1, 128>}, {pipeline_mode = #tpu.pipeline_mode<synchronous>, transform_indices = @transform_8, window_bounds = array<i64: 128, 128>}, {pipeline_mode = #tpu.pipeline_mode<synchronous>, transform_indices = @transform_9, window_bounds = array<i64: 128, 128>}, {transform_indices = @transform_10, window_bounds = array<i64: 4000, 128>}, {transform_indices = @transform_11, window_bounds = array<i64: 4000, 128>}, {transform_indices = @transform_12, window_bounds = array<i64: 4000, 128>}]} {
    %get3A = arith.constant 0 : index
    %get3A_0 = arith.constant 0 : index
    %get3A_1 = vector.load %arg1[%get3A, %get3A_0] : memref<4000x128xf32, #tpu.memory_space<vmem>>, vector<4000x128xf32>
    %get3A_2 = arith.constant 0 : index
    %get3A_3 = arith.constant 0 : index
    %get3A_4 = vector.load %arg2[%get3A_2, %get3A_3] : memref<4000x128xf32, #tpu.memory_space<vmem>>, vector<4000x128xf32>
    %get3A_5 = arith.constant 0 : index
    %get3A_6 = arith.constant 0 : index
    %get3A_7 = vector.load %arg3[%get3A_5, %get3A_6] : memref<4000x128xf32, #tpu.memory_space<vmem>>, vector<4000x128xf32>
    %add3A = arith.addf %get3A_4, %get3A_7 : vector<4000x128xf32>
    %get3A_8 = arith.constant 0 : index
    %get3A_9 = arith.constant 0 : index
    %get3A_10 = vector.load %arg5[%get3A_8, %get3A_9] : memref<128x128xf32, #tpu.memory_space<vmem>>, vector<128x128xf32>
    %dot_general3A = arith.constant dense<0.000000e+00> : vector<4000x128xf32>
    %dot_general3A_11 = tpu.matmul %get3A_1, %get3A_10, %dot_general3A {dimension_numbers = #tpu.dot_dimension_numbers<[1], [0], [0], [1], [0, 0, 1, 1], [], []>, transpose_lhs_hint = false} : vector<4000x128xf32>, vector<128x128xf32>, vector<4000x128xf32> -> vector<4000x128xf32>
    %get3A_12 = arith.constant 0 : index
    %get3A_13 = arith.constant 0 : index
    %get3A_14 = vector.load %arg7[%get3A_12, %get3A_13] : memref<1x128xf32, #tpu.memory_space<vmem>>, vector<1x128xf32>
    %add3A_15 = vector.broadcast %get3A_14 : vector<1x128xf32> to vector<4000x128xf32>
    %add3A_16 = arith.addf %dot_general3A_11, %add3A_15 : vector<4000x128xf32>
    %get3A_17 = arith.constant 0 : index
    %get3A_18 = arith.constant 0 : index
    %get3A_19 = vector.load %arg6[%get3A_17, %get3A_18] : memref<128x128xf32, #tpu.memory_space<vmem>>, vector<128x128xf32>
    %dot_general3A_20 = arith.constant dense<0.000000e+00> : vector<4000x128xf32>
    %dot_general3A_21 = tpu.matmul %get3A_1, %get3A_19, %dot_general3A_20 {dimension_numbers = #tpu.dot_dimension_numbers<[1], [0], [0], [1], [0, 0, 1, 1], [], []>, transpose_lhs_hint = false} : vector<4000x128xf32>, vector<128x128xf32>, vector<4000x128xf32> -> vector<4000x128xf32>
    %get3A_22 = arith.constant 0 : index
    %get3A_23 = arith.constant 0 : index
    %get3A_24 = vector.load %arg8[%get3A_22, %get3A_23] : memref<1x128xf32, #tpu.memory_space<vmem>>, vector<1x128xf32>
    %add3A_25 = vector.broadcast %get3A_24 : vector<1x128xf32> to vector<4000x128xf32>
    %add3A_26 = arith.addf %dot_general3A_21, %add3A_25 : vector<4000x128xf32>
    %mul3A = arith.mulf %add3A, %add3A_16 : vector<4000x128xf32>
    %abs3A = math.absf %mul3A : vector<4000x128xf32>
    %sqrt3A = math.sqrt %abs3A : vector<4000x128xf32>
    %ge3A = arith.constant 0.000000e+00 : f32
    %ge3A_27 = vector.broadcast %ge3A : f32 to vector<4000x128xf32>
    %ge3A_28 = arith.cmpf oge, %mul3A, %ge3A_27 : vector<4000x128xf32>
    %neg3A = arith.constant 0.000000e+00 : f32
    %neg3A_29 = vector.broadcast %neg3A : f32 to vector<4000x128xf32>
    %neg3A_30 = arith.subf %neg3A_29, %sqrt3A : vector<4000x128xf32>
    %select_n3A = arith.select %ge3A_28, %sqrt3A, %neg3A_30 : vector<4000x128xi1>, vector<4000x128xf32>
    %add3A_31 = arith.addf %select_n3A, %add3A_26 : vector<4000x128xf32>
    %swap3A = arith.constant 0 : index
    %swap3A_32 = arith.constant 0 : index
    %swap3A_33 = vector.load %arg11[%swap3A, %swap3A_32] : memref<4000x128xf32, #tpu.memory_space<vmem>>, vector<4000x128xf32>
    tpu.vector_store %arg11[%swap3A, %swap3A_32], %add3A_31 {strides = array<i32>} : memref<4000x128xf32, #tpu.memory_space<vmem>>, vector<4000x128xf32>,
    %get3A_34 = arith.constant 0 : index
    %get3A_35 = arith.constant 0 : index
    %get3A_36 = vector.load %arg10[%get3A_34, %get3A_35] : memref<128x128xf32, #tpu.memory_space<vmem>>, vector<128x128xf32>
    %dot_general3A_37 = arith.constant dense<0.000000e+00> : vector<4000x128xf32>
    %dot_general3A_38 = tpu.matmul %add3A_31, %get3A_36, %dot_general3A_37 {dimension_numbers = #tpu.dot_dimension_numbers<[1], [0], [0], [1], [0, 0, 1, 1], [], []>, transpose_lhs_hint = false} : vector<4000x128xf32>, vector<128x128xf32>, vector<4000x128xf32> -> vector<4000x128xf32>
    %get3A_39 = arith.constant 0 : index
    %get3A_40 = arith.constant 0 : index
    %get3A_41 = vector.load %arg9[%get3A_39, %get3A_40] : memref<128x128xf32, #tpu.memory_space<vmem>>, vector<128x128xf32>
    %dot_general3A_42 = arith.constant dense<0.000000e+00> : vector<4000x128xf32>
    %dot_general3A_43 = tpu.matmul %add3A_31, %get3A_41, %dot_general3A_42 {dimension_numbers = #tpu.dot_dimension_numbers<[1], [0], [0], [1], [0, 0, 1, 1], [], []>, transpose_lhs_hint = false} : vector<4000x128xf32>, vector<128x128xf32>, vector<4000x128xf32> -> vector<4000x128xf32>
    %jit3A = arith.constant -5.000000e+00 : f32
    %jit3A_44 = arith.constant 5.000000e+00 : f32
    %max3A = vector.broadcast %jit3A : f32 to vector<4000x128xf32>
    %max3A_45 = arith.maximumf %max3A, %dot_general3A_43 : vector<4000x128xf32>
    %min3A = vector.broadcast %jit3A_44 : f32 to vector<4000x128xf32>
    %min3A_46 = arith.minimumf %min3A, %max3A_45 : vector<4000x128xf32>
    %exp3A = math.exp %min3A_46 : vector<4000x128xf32>
    %get3A_47 = arith.constant 0 : index
    %get3A_48 = arith.constant 0 : index
    %get3A_49 = vector.load %arg4[%get3A_47, %get3A_48] : memref<4000x128xf32, #tpu.memory_space<vmem>>, vector<4000x128xf32>
    %add3A_50 = arith.addf %get3A_49, %dot_general3A_38 : vector<4000x128xf32>
    %mul3A_51 = arith.mulf %exp3A, %add3A_50 : vector<4000x128xf32>
    %swap3A_52 = arith.constant 0 : index
    %swap3A_53 = arith.constant 0 : index
    %swap3A_54 = vector.load %arg12[%swap3A_52, %swap3A_53] : memref<4000x128xf32, #tpu.memory_space<vmem>>, vector<4000x128xf32>
    tpu.vector_store %arg12[%swap3A_52, %swap3A_53], %mul3A_51 {strides = array<i32>} : memref<4000x128xf32, #tpu.memory_space<vmem>>, vector<4000x128xf32>,
    %iota3A = tpu.iota {dimensions = array<i32: 1>} : vector<4000x128xi32>
    %eq3A = arith.constant 1 : i32
    %eq3A_55 = vector.broadcast %eq3A : i32 to vector<4000x128xi32>
    %eq3A_56 = arith.cmpi eq, %iota3A, %eq3A_55 : vector<4000x128xi32>
    %jit3A_57 = arith.constant 1.000000e+00 : f32
    %broadcast_in_dim3A = vector.broadcast %jit3A_57 : f32 to vector<4000x128xf32>
    %select_n3A_58 = arith.select %eq3A_56, %broadcast_in_dim3A, %exp3A : vector<4000x128xi1>, vector<4000x128xf32>
    %swap3A_59 = arith.constant 0 : index
    %swap3A_60 = arith.constant 0 : index
    %swap3A_61 = vector.load %arg13[%swap3A_59, %swap3A_60] : memref<4000x128xf32, #tpu.memory_space<vmem>>, vector<4000x128xf32>
    tpu.vector_store %arg13[%swap3A_59, %swap3A_60], %select_n3A_58 {strides = array<i32>} : memref<4000x128xf32, #tpu.memory_space<vmem>>, vector<4000x128xf32>,
    return
  }
  func.func @transform_0(%arg0: i32) -> (i32, i32) {
    %c0_i32 = arith.constant 0 : i32
    %c0_i32_0 = arith.constant 0 : i32
    return %arg0, %c0_i32 : i32, i32
  }
  func.func @transform_1(%arg0: i32) -> (i32, i32) {
    %c0_i32 = arith.constant 0 : i32
    %c0_i32_0 = arith.constant 0 : i32
    return %arg0, %c0_i32 : i32, i32
  }
  func.func @transform_2(%arg0: i32) -> (i32, i32) {
    %c0_i32 = arith.constant 0 : i32
    %c0_i32_0 = arith.constant 0 : i32
    return %arg0, %c0_i32 : i32, i32
  }
  func.func @transform_3(%arg0: i32) -> (i32, i32) {
    %c0_i32 = arith.constant 0 : i32
    %c0_i32_0 = arith.constant 0 : i32
    return %arg0, %c0_i32 : i32, i32
  }
  func.func @transform_4(%arg0: i32) -> (i32, i32) {
    %c0_i32 = arith.constant 0 : i32
    %c0_i32_0 = arith.constant 0 : i32
    %c0_i32_1 = arith.constant 0 : i32
    return %c0_i32, %c0_i32_0 : i32, i32
  }
  func.func @transform_5(%arg0: i32) -> (i32, i32) {
    %c0_i32 = arith.constant 0 : i32
    %c0_i32_0 = arith.constant 0 : i32
    %c0_i32_1 = arith.constant 0 : i32
    return %c0_i32, %c0_i32_0 : i32, i32
  }
  func.func @transform_6(%arg0: i32) -> (i32, i32) {
    %c0_i32 = arith.constant 0 : i32
    %c0_i32_0 = arith.constant 0 : i32
    %c0_i32_1 = arith.constant 0 : i32
    return %c0_i32, %c0_i32_0 : i32, i32
  }
  func.func @transform_7(%arg0: i32) -> (i32, i32) {
    %c0_i32 = arith.constant 0 : i32
    %c0_i32_0 = arith.constant 0 : i32
    %c0_i32_1 = arith.constant 0 : i32
    return %c0_i32, %c0_i32_0 : i32, i32
  }
  func.func @transform_8(%arg0: i32) -> (i32, i32) {
    %c0_i32 = arith.constant 0 : i32
    %c0_i32_0 = arith.constant 0 : i32
    %c0_i32_1 = arith.constant 0 : i32
    return %c0_i32, %c0_i32_0 : i32, i32
  }
  func.func @transform_9(%arg0: i32) -> (i32, i32) {
    %c0_i32 = arith.constant 0 : i32
    %c0_i32_0 = arith.constant 0 : i32
    %c0_i32_1 = arith.constant 0 : i32
    return %c0_i32, %c0_i32_0 : i32, i32
  }
  func.func @transform_10(%arg0: i32) -> (i32, i32) {
    %c0_i32 = arith.constant 0 : i32
    %c0_i32_0 = arith.constant 0 : i32
    return %arg0, %c0_i32 : i32, i32
  }
  func.func @transform_11(%arg0: i32) -> (i32, i32) {
    %c0_i32 = arith.constant 0 : i32
    %c0_i32_0 = arith.constant 0 : i32
    return %arg0, %c0_i32 : i32, i32
  }
  func.func @transform_12(%arg0: i32) -> (i32, i32) {
    %c0_i32 = arith.constant 0 : i32
    %c0_i32_0 = arith.constant 0 : i32
    return %arg0, %c0_i32 : i32, i32
  }
}

module attributes {stable_mosaic.version = 14 : i64} {
  func.func @_node_body(%arg0: i32, %arg1: memref<2000x128xf32, #tpu.memory_space<vmem>>, %arg2: memref<2000x128xf32, #tpu.memory_space<vmem>>, %arg3: memref<128x128xf32, #tpu.memory_space<vmem>>, %arg4: memref<128x128xf32, #tpu.memory_space<vmem>>, %arg5: memref<128x128xf32, #tpu.memory_space<vmem>>, %arg6: memref<128x128xf32, #tpu.memory_space<vmem>>, %arg7: memref<128x128xf32, #tpu.memory_space<vmem>>, %arg8: memref<128x128xf32, #tpu.memory_space<vmem>>, %arg9: memref<1x128xf32, #tpu.memory_space<vmem>>, %arg10: memref<2000x128xf32, #tpu.memory_space<vmem>>) attributes {dimension_semantics = [#tpu.dimension_semantics<arbitrary>], iteration_bounds = array<i64: 5>, scalar_prefetch = 0 : i64, scratch_operands = 0 : i64, tpu.core_type = #tpu.core_type<tc>, window_params = [{transform_indices = @transform_0, window_bounds = array<i64: 2000, 128>}, {transform_indices = @transform_1, window_bounds = array<i64: 2000, 128>}, {pipeline_mode = #tpu.pipeline_mode<synchronous>, transform_indices = @transform_2, window_bounds = array<i64: 128, 128>}, {pipeline_mode = #tpu.pipeline_mode<synchronous>, transform_indices = @transform_3, window_bounds = array<i64: 128, 128>}, {pipeline_mode = #tpu.pipeline_mode<synchronous>, transform_indices = @transform_4, window_bounds = array<i64: 128, 128>}, {pipeline_mode = #tpu.pipeline_mode<synchronous>, transform_indices = @transform_5, window_bounds = array<i64: 128, 128>}, {pipeline_mode = #tpu.pipeline_mode<synchronous>, transform_indices = @transform_6, window_bounds = array<i64: 128, 128>}, {pipeline_mode = #tpu.pipeline_mode<synchronous>, transform_indices = @transform_7, window_bounds = array<i64: 128, 128>}, {pipeline_mode = #tpu.pipeline_mode<synchronous>, transform_indices = @transform_8, window_bounds = array<i64: 1, 128>}, {transform_indices = @transform_9, window_bounds = array<i64: 2000, 128>}]} {
    %get3A = arith.constant 0 : index
    %get3A_0 = arith.constant 0 : index
    %get3A_1 = vector.load %arg1[%get3A, %get3A_0] : memref<2000x128xf32, #tpu.memory_space<vmem>>, vector<2000x128xf32>
    %get3A_2 = arith.constant 0 : index
    %get3A_3 = arith.constant 0 : index
    %get3A_4 = vector.load %arg2[%get3A_2, %get3A_3] : memref<2000x128xf32, #tpu.memory_space<vmem>>, vector<2000x128xf32>
    %get3A_5 = arith.constant 0 : index
    %get3A_6 = arith.constant 0 : index
    %get3A_7 = vector.load %arg3[%get3A_5, %get3A_6] : memref<128x128xf32, #tpu.memory_space<vmem>>, vector<128x128xf32>
    %dot_general3A = arith.constant dense<0.000000e+00> : vector<2000x128xf32>
    %dot_general3A_8 = tpu.matmul %get3A_4, %get3A_7, %dot_general3A {dimension_numbers = #tpu.dot_dimension_numbers<[1], [0], [0], [1], [0, 0, 1, 1], [], []>, transpose_lhs_hint = false} : vector<2000x128xf32>, vector<128x128xf32>, vector<2000x128xf32> -> vector<2000x128xf32>
    %get3A_9 = arith.constant 0 : index
    %get3A_10 = arith.constant 0 : index
    %get3A_11 = vector.load %arg4[%get3A_9, %get3A_10] : memref<128x128xf32, #tpu.memory_space<vmem>>, vector<128x128xf32>
    %dot_general3A_12 = arith.constant dense<0.000000e+00> : vector<2000x128xf32>
    %dot_general3A_13 = tpu.matmul %get3A_4, %get3A_11, %dot_general3A_12 {dimension_numbers = #tpu.dot_dimension_numbers<[1], [0], [0], [1], [0, 0, 1, 1], [], []>, transpose_lhs_hint = false} : vector<2000x128xf32>, vector<128x128xf32>, vector<2000x128xf32> -> vector<2000x128xf32>
    %log1p3A = math.log1p %dot_general3A_13 : vector<2000x128xf32>
    %add3A = arith.constant 1.000000e-16 : f32
    %add3A_14 = vector.broadcast %add3A : f32 to vector<2000x128xf32>
    %add3A_15 = arith.addf %dot_general3A_8, %add3A_14 : vector<2000x128xf32>
    %div3A = arith.divf %get3A_1, %add3A_15 : vector<2000x128xf32>
    %get3A_16 = arith.constant 0 : index
    %get3A_17 = arith.constant 0 : index
    %get3A_18 = vector.load %arg5[%get3A_16, %get3A_17] : memref<128x128xf32, #tpu.memory_space<vmem>>, vector<128x128xf32>
    %dot_general3A_19 = arith.constant dense<0.000000e+00> : vector<2000x128xf32>
    %dot_general3A_20 = tpu.matmul %div3A, %get3A_18, %dot_general3A_19 {dimension_numbers = #tpu.dot_dimension_numbers<[1], [0], [0], [1], [0, 0, 1, 1], [], []>, transpose_lhs_hint = false} : vector<2000x128xf32>, vector<128x128xf32>, vector<2000x128xf32> -> vector<2000x128xf32>
    %get3A_21 = arith.constant 0 : index
    %get3A_22 = arith.constant 0 : index
    %get3A_23 = vector.load %arg6[%get3A_21, %get3A_22] : memref<128x128xf32, #tpu.memory_space<vmem>>, vector<128x128xf32>
    %dot_general3A_24 = arith.constant dense<0.000000e+00> : vector<2000x128xf32>
    %dot_general3A_25 = tpu.matmul %div3A, %get3A_23, %dot_general3A_24 {dimension_numbers = #tpu.dot_dimension_numbers<[1], [0], [0], [1], [0, 0, 1, 1], [], []>, transpose_lhs_hint = false} : vector<2000x128xf32>, vector<128x128xf32>, vector<2000x128xf32> -> vector<2000x128xf32>
    %mul3A = arith.mulf %log1p3A, %dot_general3A_25 : vector<2000x128xf32>
    %add3A_26 = arith.addf %dot_general3A_20, %mul3A : vector<2000x128xf32>
    %get3A_27 = arith.constant 0 : index
    %get3A_28 = arith.constant 0 : index
    %get3A_29 = vector.load %arg7[%get3A_27, %get3A_28] : memref<128x128xf32, #tpu.memory_space<vmem>>, vector<128x128xf32>
    %dot_general3A_30 = arith.constant dense<0.000000e+00> : vector<2000x128xf32>
    %dot_general3A_31 = tpu.matmul %div3A, %get3A_29, %dot_general3A_30 {dimension_numbers = #tpu.dot_dimension_numbers<[1], [0], [0], [1], [0, 0, 1, 1], [], []>, transpose_lhs_hint = false} : vector<2000x128xf32>, vector<128x128xf32>, vector<2000x128xf32> -> vector<2000x128xf32>
    %add3A_32 = arith.constant 1.000000e+00 : f32
    %add3A_33 = vector.broadcast %add3A_32 : f32 to vector<2000x128xf32>
    %add3A_34 = arith.addf %add3A_33, %log1p3A : vector<2000x128xf32>
    %div3A_35 = arith.divf %dot_general3A_31, %add3A_34 : vector<2000x128xf32>
    %add3A_36 = arith.addf %add3A_26, %div3A_35 : vector<2000x128xf32>
    %mul3A_37 = arith.constant 5.000000e-01 : f32
    %mul3A_38 = vector.broadcast %mul3A_37 : f32 to vector<2000x128xf32>
    %mul3A_39 = arith.mulf %mul3A_38, %log1p3A : vector<2000x128xf32>
    %add3A_40 = arith.constant 1.000000e+00 : f32
    %add3A_41 = vector.broadcast %add3A_40 : f32 to vector<2000x128xf32>
    %add3A_42 = arith.addf %add3A_41, %mul3A_39 : vector<2000x128xf32>
    %get3A_43 = arith.constant 0 : index
    %get3A_44 = arith.constant 0 : index
    %get3A_45 = vector.load %arg8[%get3A_43, %get3A_44] : memref<128x128xf32, #tpu.memory_space<vmem>>, vector<128x128xf32>
    %dot_general3A_46 = arith.constant dense<0.000000e+00> : vector<2000x128xf32>
    %dot_general3A_47 = tpu.matmul %div3A, %get3A_45, %dot_general3A_46 {dimension_numbers = #tpu.dot_dimension_numbers<[1], [0], [0], [1], [0, 0, 1, 1], [], []>, transpose_lhs_hint = false} : vector<2000x128xf32>, vector<128x128xf32>, vector<2000x128xf32> -> vector<2000x128xf32>
    %mul3A_48 = arith.mulf %add3A_42, %dot_general3A_47 : vector<2000x128xf32>
    %add3A_49 = arith.addf %add3A_36, %mul3A_48 : vector<2000x128xf32>
    %get3A_50 = arith.constant 0 : index
    %get3A_51 = arith.constant 0 : index
    %get3A_52 = vector.load %arg9[%get3A_50, %get3A_51] : memref<1x128xf32, #tpu.memory_space<vmem>>, vector<1x128xf32>
    %add3A_53 = vector.broadcast %get3A_52 : vector<1x128xf32> to vector<2000x128xf32>
    %add3A_54 = arith.addf %add3A_49, %add3A_53 : vector<2000x128xf32>
    %swap3A = arith.constant 0 : index
    %swap3A_55 = arith.constant 0 : index
    %swap3A_56 = vector.load %arg10[%swap3A, %swap3A_55] : memref<2000x128xf32, #tpu.memory_space<vmem>>, vector<2000x128xf32>
    tpu.vector_store %arg10[%swap3A, %swap3A_55], %add3A_54 {strides = array<i32>} : memref<2000x128xf32, #tpu.memory_space<vmem>>, vector<2000x128xf32>,
    return
  }
  func.func @transform_0(%arg0: i32) -> (i32, i32) {
    %c0_i32 = arith.constant 0 : i32
    %c0_i32_0 = arith.constant 0 : i32
    return %arg0, %c0_i32 : i32, i32
  }
  func.func @transform_1(%arg0: i32) -> (i32, i32) {
    %c0_i32 = arith.constant 0 : i32
    %c0_i32_0 = arith.constant 0 : i32
    return %arg0, %c0_i32 : i32, i32
  }
  func.func @transform_2(%arg0: i32) -> (i32, i32) {
    %c0_i32 = arith.constant 0 : i32
    %c0_i32_0 = arith.constant 0 : i32
    %c0_i32_1 = arith.constant 0 : i32
    return %c0_i32, %c0_i32_0 : i32, i32
  }
  func.func @transform_3(%arg0: i32) -> (i32, i32) {
    %c0_i32 = arith.constant 0 : i32
    %c0_i32_0 = arith.constant 0 : i32
    %c0_i32_1 = arith.constant 0 : i32
    return %c0_i32, %c0_i32_0 : i32, i32
  }
  func.func @transform_4(%arg0: i32) -> (i32, i32) {
    %c0_i32 = arith.constant 0 : i32
    %c0_i32_0 = arith.constant 0 : i32
    %c0_i32_1 = arith.constant 0 : i32
    return %c0_i32, %c0_i32_0 : i32, i32
  }
  func.func @transform_5(%arg0: i32) -> (i32, i32) {
    %c0_i32 = arith.constant 0 : i32
    %c0_i32_0 = arith.constant 0 : i32
    %c0_i32_1 = arith.constant 0 : i32
    return %c0_i32, %c0_i32_0 : i32, i32
  }
  func.func @transform_6(%arg0: i32) -> (i32, i32) {
    %c0_i32 = arith.constant 0 : i32
    %c0_i32_0 = arith.constant 0 : i32
    %c0_i32_1 = arith.constant 0 : i32
    return %c0_i32, %c0_i32_0 : i32, i32
  }
  func.func @transform_7(%arg0: i32) -> (i32, i32) {
    %c0_i32 = arith.constant 0 : i32
    %c0_i32_0 = arith.constant 0 : i32
    %c0_i32_1 = arith.constant 0 : i32
    return %c0_i32, %c0_i32_0 : i32, i32
  }
  func.func @transform_8(%arg0: i32) -> (i32, i32) {
    %c0_i32 = arith.constant 0 : i32
    %c0_i32_0 = arith.constant 0 : i32
    %c0_i32_1 = arith.constant 0 : i32
    return %c0_i32, %c0_i32_0 : i32, i32
  }
  func.func @transform_9(%arg0: i32) -> (i32, i32) {
    %c0_i32 = arith.constant 0 : i32
    %c0_i32_0 = arith.constant 0 : i32
    return %arg0, %c0_i32 : i32, i32
  }
}

</mosaic_0001>

<sc_bundles>
// kernel: kernel.10.cloned.1.call-start
scs
__scs_entry_jumppad:
0x0: {  	(pc) =	sbr.rel $0x88, $3  }
0x1: {  	(tag) =	ssettag $0x0;
	lr =	simm.s32 $0x1  }
0x2: {  	[smem:$0x3F92] =	sst lr;
	_ =	strace $0xD0000000  }
0x3: {  	_ = 	snop  }
0x4: {  	_ = 	snop  }
0x5: {  	_ = 	snop  }
0x6: {  	_ = 	snop  }
0x7: {  	_ = 	snop  }
__scs_overlays_trampoline_lowered:
0x8: {  	[smem:$0x3FA1] =	sst s0  }
0x9: {  	[smem:$0x3FA2] =	sst s1  }
0xa: {  	[smem:$0x3FA3] =	sst s2  }
0xb: {  	[smem:$0x3FA4] =	sst s3  }
0xc: {  	[smem:$0x3FA5] =	sst s4  }
0xd: {  	[smem:$0x3FA6] =	sst s5  }
0xe: {  	[smem:$0x3FA7] =	sst s6  }
0xf: {  	[smem:$0x3FA8] =	sst s7  }
0x10: {  	[smem:$0x3FA9] =	sst s8  }
0x11: {  	[smem:$0x3FAA] =	sst s9;
	s0 =	simm.s32 @!p0 $0x0  }
0x12: {  	s1 =	sld [smem:$0x3F90];
	s0 =	simm.s32 @p0 $0x1  }
0x13: {  	[smem:$0x3FAB] =	sst s0;
	s0 =	simm.s32 @!p1 $0x0  }
0x14: {  	s2 =	sld [smem:$0x3F8F];
	s0 =	simm.s32 @p1 $0x1  }
0x15: {  	[smem:$0x3FAC] =	sst s0;
	s0 =	simm.s32 @!p2 $0x0  }
0x16: {  	s3 =	sld [smem:$0x3FDB];
	s0 =	simm.s32 @p2 $0x1  }
0x17: {  	s4 =	simm.s32 $0x1BF5;
	[smem:$0x3FAE] =	sst s0  }
0x18: {  	s0 =	sld [smem:$0x3F91];
	_ =	swait.ge [sflag:s4], $0x0  }
0x19: {  	s7 =	sld [smem:$0x3F92]  }
0x1a: {  	s8 =	sadd.s32 $0xFFFFE003, lr  }
0x1b: {  	s9 =	sadd.s32 $0xFFFFFEF7, lr;
	s5 =	simm.s32 $0xFFFFFFFF;
	p2 =	slt.u32 s8, $0xFFFFF086  }
0x1c: {  	p1 =	slt.u32 s9, $0xF7A;
	s5 =	simm.s32 @!p2 $0x0  }
0x1d: {  	s5 =	simm.s32 @p1 $0x1;
	p0 =	seq.s32 s7, s2  }
0x1e: {  	s7 =	smul.u32 @!p0 $0xF7A, s2;
	p2 =	seq.s32 @!p0 s5, $0x0  }
0x1f: {  	s9 =	smul.u32 $0xF7A, s1;
	s8 =	simm.s32 @!p0 $0x1BF5;
	p2 =	por !p2, p0  }
0x20: {  	[sflag:s8] =	ssyncset.s32 @!p0 $0xFFFFF086;
	s6 =	sadd.s32 @!p0 s3, s7;
	s7 =	simm.s32 @!p0 $0x108  }
0x21: {  	s3 =	sadd.s32 s3, s9;
	s6 =	sadd.s32 @!p0 $0x88, s6;
	s7 =	simm.s32 @p2 $0x1082  }
0x22: {  	[simem:s7], [sflag:s8] =	dma.local @!p0 [hbm:s6], $0xF7A  }
0x23: {  	s9 =	sor.u32 $0xD0000000, s2;
	s6 =	simm.s32 $0x108;
	_ =	swait.ge @!p0 [sflag:s8], $0x0  }
0x24: {  	s3 =	sadd.s32 $0x88, s3;
	s6 =	simm.s32 @!p1 $0x1082;
	[sflag:s4] =	ssyncset.s32 $0xFFFFF086  }
0x25: {  	[simem:s6], [sflag:s4] =	dma.local [hbm:s3], $0xF7A  }
0x26: {  	[smem:$0x3F92] =	sst s1;
	(tag) =	ssettag s2;
	_ =	strace s9  }
0x27: {  	s1 =	sld [smem:$0x3FA2]  }
0x28: {  	s2 =	sld [smem:$0x3FA3]  }
0x29: {  	s4 =	sld [smem:$0x3FA5]  }
0x2a: {  	p0 =	seq.s32 s5, $0x0;
	s5 =	sld [smem:$0x3FA6]  }
0x2b: {  	s6 =	sld [smem:$0x3FA7]  }
0x2c: {  	s7 =	sld [smem:$0x3FA8]  }
0x2d: {  	s3 =	simm.s32 $0x108;
	s8 =	sld [smem:$0x3FA9]  }
0x2e: {  	s3 =	simm.s32 @!p0 $0x1082;
	s9 =	sld [smem:$0x3FAA]  }
0x2f: {  	lr =	sadd.s32 s0, s3;
	s0 =	sld [smem:$0x3FA1]  }
0x30: {  	s3 =	sld [smem:$0x3FA4]  }
0x31: {  	[smem:$0x3FAD] =	sst s10  }
0x32: {  	s10 =	sld [smem:$0x3FAB];
	_ =	sdelay $0x3  }
0x33: {  	p0 =	seq.s32 s10, $0x1;
	s10 =	sld [smem:$0x3FAD];
	_ =	sdelay $0x3  }
0x34: {  	[smem:$0x3FAD] =	sst s10  }
0x35: {  	s10 =	sld [smem:$0x3FAC];
	_ =	sdelay $0x3  }
0x36: {  	p1 =	seq.s32 s10, $0x1;
	s10 =	sld [smem:$0x3FAD];
	_ =	sdelay $0x3  }
0x37: {  	[smem:$0x3FAD] =	sst s10  }
0x38: {  	s10 =	sld [smem:$0x3FAE]  }
0x39: {  	_ = 	snop;
	(pc) =	sbr.ind lr, $3  }
0x3a: {  	_ = 	snop  }
0x3b: {  	_ = 	snop  }
0x3c: {  	p2 =	seq.s32 s10, $0x1;
	s10 =	sld [smem:$0x3FAD]  }
0x3d: {  	_ =	shalt  }
0x3e: {  	_ =	shalt  }
0x3f: {  	_ =	shalt  }
0x40: {  	_ =	shalt  }
0x41: {  	_ =	shalt  }
0x42: {  	_ =	shalt  }
0x43: {  	_ =	shalt  }
0x44: {  	_ =	shalt  }
0x45: {  	_ =	shalt  }
0x46: {  	_ =	shalt  }
0x47: {  	_ =	shalt  }
0x48: {  	_ =	shalt  }
0x49: {  	_ =	shalt  }
0x4a: {  	_ =	shalt  }
0x4b: {  	_ =	shalt  }
0x4c: {  	_ =	shalt  }
0x4d: {  	_ =	shalt  }
0x4e: {  	_ =	shalt  }
0x4f: {  	_ =	shalt  }
0x50: {  	_ =	shalt  }
0x51: {  	_ =	shalt  }
0x52: {  	_ =	shalt  }
0x53: {  	_ =	shalt  }
0x54: {  	_ =	shalt  }
0x55: {  	_ =	shalt  }
0x56: {  	_ =	shalt  }
0x57: {  	_ =	shalt  }
0x58: {  	_ =	shalt  }
0x59: {  	_ =	shalt  }
0x5a: {  	_ =	shalt  }
0x5b: {  	_ =	shalt  }
0x5c: {  	_ =	shalt  }
0x5d: {  	_ =	shalt  }
0x5e: {  	_ =	shalt  }
0x5f: {  	_ =	shalt  }
0x60: {  	_ =	shalt  }
0x61: {  	_ =	shalt  }
0x62: {  	_ =	shalt  }
0x63: {  	_ =	shalt  }
0x64: {  	_ =	shalt  }
0x65: {  	_ =	shalt  }
0x66: {  	_ =	shalt  }
0x67: {  	_ =	shalt  }
0x68: {  	_ =	shalt  }
0x69: {  	_ =	shalt  }
0x6a: {  	_ =	shalt  }
0x6b: {  	_ =	shalt  }
0x6c: {  	_ =	shalt  }
0x6d: {  	_ =	shalt  }
0x6e: {  	_ =	shalt  }
0x6f: {  	_ =	shalt  }
0x70: {  	_ =	shalt  }
0x71: {  	_ =	shalt  }
0x72: {  	_ =	shalt  }
0x73: {  	_ =	shalt  }
0x74: {  	_ =	shalt  }
0x75: {  	_ =	shalt  }
0x76: {  	_ =	shalt  }
0x77: {  	_ =	shalt  }
0x78: {  	_ =	shalt  }
0x79: {  	_ =	shalt  }
0x7a: {  	_ =	shalt  }
0x7b: {  	_ =	shalt  }
0x7c: {  	_ =	shalt  }
0x7d: {  	_ =	shalt  }
0x7e: {  	_ =	shalt  }
0x7f: {  	_ =	shalt  }
0x80: {  	_ =	shalt  }
0x81: {  	_ =	shalt  }
0x82: {  	_ =	shalt  }
0x83: {  	_ =	shalt  }
0x84: {  	_ =	shalt  }
0x85: {  	_ =	shalt  }
0x86: {  	_ =	shalt  }
0x87: {  	_ =	shalt  }
.Lfunc_end0:
.L_simem_size_0:
called_computation.1_lowered:
.L_overlay_start_0:
0x88: {  	s2 =	sld [smem:$0x3FD9]  }
0x89: {  	s3 =	sld [smem:$0x3FFE];
	_ =	sdelay $0x1  }
0x8a: {  	s1 =	srdreg.scid  }
0x8b: {  	s0 =	sand.u32 $0x1, s1  }
0x8c: {  	s14 =	sshll.u32 s0, $0xA;
	s2 =	sadd.s32 s3, s2  }
0x8d: {  	s2 =	sadd.s32 s2, s14  }
0x8e: {  	[smem:$0x3FB9] =	sst s2  }
0x8f: {  	_ = 	snop  }
0x90: {  	s2 =	sld [smem:$0x3FD0];
	_ =	sdelay $0x2  }
0x91: {  	s15 =	simm.s32 $0xA;
	s4 =	simm.s32 $0x10  }
0x92: {  	[smem:s4], [sflag:s15] =	dma.local [hbm:s2], $0x1  }
0x93: {  	_ =	swait.eq [sflag:s15], $0x1  }
0x94: {  	[sflag:s15] =	ssyncset.done $0x0  }
0x95: {  	[sflag:s15] =	ssyncadd.s32 $0xFFFFFFFF  }
0x96: {  	s16 =	sld [smem:$0x10];
	(tm) =	ssettm $0x1  }
0x97: {  	s17 =	sld [smem:$0x3FFB];
	_ =	sdelay $0x3  }
0x98: {  	_ =	strace s17  }
0x99: {  	s3 =	sld [smem:$0x3FFC];
	_ =	sdelay $0x3  }
0x9a: {  	_ =	strace s3  }
0x9b: {  	s3 =	sld [smem:$0x3FFD];
	_ =	sdelay $0x3  }
0x9c: {  	_ =	strace s3  }
0x9d: {  	_ =	strace $0x8FFFFFFF  }
0x9e: {  	s18 =	sld [smem:$0x3FDB];
	_ =	sdelay $0x1  }
0x9f: {  	s19 =	simm.s32 $_scs_section_size  }
0xa0: {  	s5 =	simm.s32 $_size__tile_overlayer_lowered;
	s6 =	simm.s32 $_tile_overlayer_lowered  }
0xa1: {  	s22 =	simm.s32 $0x1BFF;
	s21 =	sshll.u32 s6, $0x1;
	s3 =	sadd.s32 s19, s18  }
0xa2: {  	s7 =	simm.s32 $0x0;
	s20 =	sshll.u32 s5, $0x1;
	s5 =	sadd.s32 s21, s3  }
0xa3: {  	[timem:s7], [sflag:s22] =	dma.local [hbm:s5], s20  }
0xa4: {  	_ =	swait.ge [sflag:s22], s20  }
0xa5: {  	s4 =	ssub.s32 $0x0, s20;
	[sflag:s22] =	ssyncset.done $0x0  }
0xa6: {  	[sflag:s22] =	ssyncadd.s32 s4;
	_ =	sdelay $0x1  }
0xa7: {  	s23 =	simm.s32 $0x1B8B  }
0xa8: {  	_ =	swait.ge [sflag:s23], $0x1  }
0xa9: {  	[sflag:s23] =	ssyncset.done $0x0  }
0xaa: {  	s25 =	simm.s32 $0x1B8E;
	s24 =	sld [smem:$0x3FFE];
	[sflag:s23] =	ssyncadd.s32 $0xFFFFFFFF  }
0xab: {  	s26 =	simm.s32 $execute0_lowered;
	[smem:$0x3FD2] =	sst s25  }
0xac: {  	s5 =	sshll.u32 s26, $0x1;
	_ =	strace $0x80000049;
	[dreg:$0x1] =	wrdreg $0xFFFFFFFF  }
0xad: {  	s28 =	simm.s32 $_size_execute0_lowered;
	s3 =	sadd.s32 s3, s5;
	[dreg:$0x0] =	wrdreg $0x0  }
0xae: {  	s5 =	sshll.u32 s28, $0x1;
	[dreg:$0x2] =	wrdreg s3  }
0xaf: {  	[dreg:$0x3] =	wrdreg s5  }
0xb0: {  	[dreg:$0x4] =	wrdreg $0xC0  }
0xb1: {  	_ =	task [dreg:s7], $0x5FFFF  }
0xb2: {  	[dreg:$0x1] =	wrdreg $0xFFFFFFFF  }
0xb3: {  	[dreg:$0x0] =	wrdreg $0x60  }
0xb4: {  	[dreg:$0x2] =	wrdreg s24  }
0xb5: {  	[dreg:$0x3] =	wrdreg s16  }
0xb6: {  	[dreg:$0x4] =	wrdreg $0x0  }
0xb7: {  	[dreg:$0x5] =	wrdreg $0x9  }
0xb8: {  	_ =	task.clear_ibuf [dreg:s7], $0x6FFFF;
	_ =	strace $0x90000049  }
0xb9: {  	s29 =	simm.s32 $0x9;
	_ =	strace $0x8000004B  }
0xba: {  	_ =	swait.ge [sflag:s29], $0x1  }
0xbb: {  	[sflag:s29] =	ssyncadd.s32 $0xFFFFFFFF  }
0xbc: {  	_ =	strace $0x9000004B  }
0xbd: {  	_ =	sfence  }
0xbe: {  	s30 =	sld [smem:$0x0];
	_ =	sdelay $0x2  }
0xbf: {  	s31 =	sshll.u32 s1, $0xD;
	s1 =	sshrl.u32 s1, $0x2  }
0xc0: {  	s3 =	sand.u32 $0x4000, s31;
	s1 =	sadd.s32 s1, s30  }
0xc1: {  	s0 =	sor.u32 s3, s0;
	s1 =	sshll.u32 s1, $0x11  }
0xc2: {  	s0 =	sor.u32 s1, s0  }
0xc3: {  	s0 =	sadd.s32 $0x8F2B, s0  }
0xc4: {  	[sflag:s0] =	ssyncadd.remote.s32 $0x1  }
0xc5: {  	_ =	sfence.sel $0xFFFF  }
0xc6: {  	[dreg:$0x0] =	wrdreg $0xFFFFFFFF;
	(pc) =	sbr.abs _section_cstart, $3  }
0xc7: {  	[dreg:$0x1] =	wrdreg $0xFFFFFFFF  }
0xc8: {  	_ =	task.clear_ibuf [dreg:s7], $0x2FFFF;
	_ =	strace $0x9FFFFFFF  }
0xc9: {  	(tm) =	ssettm $0x7FFFFFFF  }
tec
execute0_lowered:
.L_overlay_start_1:
0x0: {  	(tag) =	ssettag $0x1  }
0x1: {  	s0 =	rddreg [dreg:$0x0]  }
0x2: {  	s1 =	rddreg [dreg:$0x1]  }
0x3: {  	s2 =	rddreg [dreg:$0x2]  }
0x4: {  	s4 =	simm.s32 $0x0;
	s3 =	stileid.u32;
	s5 =	srdreg.scid  }
0x5: {  	s28 =	simm.s32 $0x80;
	s29 =	simm.s32 $0x0;
	s21 =	sadd.s32 $0xEE3E00, s0  }
0x6: {  	[smem:$0x7FF] =	sst s4;
	s16 =	sadd.s32 $0x13C5E00, s0;
	s19 =	smul.u32 $0x50000, s3  }
0x7: {  	s6 =	sshll.u32 s3, $0x4;
	s7 =	sand.u32 $0x1, s5;
	s14 =	smul.u32 $0x280, s3  }
0x8: {  	s20 =	sadd.s32 $0x16C00, s0;
	s24 =	ssub.s32 $0x9D3, s3;
	s17 =	smul.u32 $0x2800, s3  }
0x9: {  	s31 =	sshll.u32 s3, $0xB;
	_ =	strace $0x8000004A;
	s22 =	sadd.s32 s6, s0  }
0xa: {  	s5 =	ssub.s32 $0x2, s7;
	s0 =	sadd.s32 $0x3EC00, s0;
	s6 =	sshrl.u32 s24, $0x4  }
0xb: {  	p0 =	seq.s32 s7, $0x1;
	s8 =	sshrl.u32 s5, $0x1;
	s23 =	sshrl.u32 s19, $0x2  }
0xc: {  	s13 =	sadd.s32 $0x80, s14;
	s15 =	sadd.s32 $0x100, s14;
	s25 =	sadd.s32 $0x180, s14  }
0xd: {  	s24 =	sadd.s32 $0x200, s14;
	s20 =	smov.u32 @p0 s0;
	s21 =	smov.u32 @p0 s16  }
0xe: {  	s0 =	sadd.s32 $0xCE00, s22;
	s8 =	ssub.s32 s5, s8;
	s5 =	sadd.s32 s23, s2  }
0xf: {  	s12 =	sshll.u32 s13, $0x7;
	s18 =	sshll.u32 s15, $0x7;
	s19 =	sshll.u32 s13, $0x4  }
0x10: {  	s23 =	sshll.u32 s15, $0x4;
	s26 =	sshll.u32 s25, $0x7;
	s25 =	sshll.u32 s25, $0x4  }
0x11: {  	s30 =	sshll.u32 s24, $0x7;
	s24 =	sshll.u32 s24, $0x4;
	s16 =	sadd.s32 s20, s17  }
0x12: {  	s21 =	sadd.s32 s31, s21;
	s7 =	smax.u32 s8, $0x1;
	s8 =	sadd.s32 $0x4000, s5  }
0x13: {  	s9 =	sadd.s32 $0x8000, s5;
	s10 =	sadd.s32 $0xC000, s5;
	s11 =	sadd.s32 $0x10000, s5  }
0x14: {  	s12 =	sadd.s32 s12, s2;
	s13 =	sadd.s32 s18, s2;
	s14 =	sadd.s32 s26, s2  }
0x15: {  	s15 =	sadd.s32 s30, s2;
	s17 =	sadd.s32 s20, s19;
	s18 =	sadd.s32 s20, s23  }
0x16: {  	s19 =	sadd.s32 s20, s25;
	s20 =	sadd.s32 s20, s24;
	s23 =	simm.s32 $0x14080  }
0x17: {  	s24 =	simm.s32 $0x2;
	s25 =	simm.s32 $0x14000;
	s26 =	simm.s32 $0x1  }
.LBB2_1:
0x18: {  	[tilespmem:s23], [sflag:$0x2] =	stream.linear.gather [hbm4b:s1+s4], $0x4000, $0x38;
	[tilespmem:$0x18080] =	vst v63  }
0x19: {  	_ =	swait.ge [sflag:s24], $0x4000  }
0x1a: {  	[sflag:s24] =	ssyncset.done $0x0  }
0x1b: {  	[sflag:s24] =	ssyncadd.s32 $0xFFFFC000  }
0x1c: {  	[spmem:s5] =	stream.linear.scatter [tilespmem:s23], [sflag:$0x2], $0x4000, $0x38;
	[tilespmem:$0x18080] =	vst v63  }
0x1d: {  	_ =	swait.ge [sflag:s24], $0x4000  }
0x1e: {  	[sflag:s24] =	ssyncset.done $0x0  }
0x1f: {  	[sflag:s24] =	ssyncadd.s32 $0xFFFFC000  }
0x20: {  	[spmem:s8] =	stream.linear.scatter [tilespmem:s23], [sflag:$0x2], $0x4000, $0x38;
	[tilespmem:$0x18080] =	vst v63  }
0x21: {  	_ =	swait.ge [sflag:s24], $0x4000  }
0x22: {  	[sflag:s24] =	ssyncset.done $0x0  }
0x23: {  	[sflag:s24] =	ssyncadd.s32 $0xFFFFC000  }
0x24: {  	[spmem:s9] =	stream.linear.scatter [tilespmem:s23], [sflag:$0x2], $0x4000, $0x38;
	[tilespmem:$0x18080] =	vst v63  }
0x25: {  	_ =	swait.ge [sflag:s24], $0x4000  }
0x26: {  	[sflag:s24] =	ssyncset.done $0x0  }
0x27: {  	[sflag:s24] =	ssyncadd.s32 $0xFFFFC000  }
0x28: {  	[spmem:s10] =	stream.linear.scatter [tilespmem:s23], [sflag:$0x2], $0x4000, $0x38;
	[tilespmem:$0x18080] =	vst v63  }
0x29: {  	_ =	swait.ge [sflag:s24], $0x4000  }
0x2a: {  	[sflag:s24] =	ssyncset.done $0x0  }
0x2b: {  	[sflag:s24] =	ssyncadd.s32 $0xFFFFC000  }
0x2c: {  	[spmem:s11] =	stream.linear.scatter [tilespmem:s23], [sflag:$0x2], $0x4000, $0x38;
	[tilespmem:$0x18080] =	vst v63  }
0x2d: {  	_ =	swait.ge [sflag:s24], $0x4000  }
0x2e: {  	[sflag:s24] =	ssyncset.done $0x0  }
0x2f: {  	[sflag:s24] =	ssyncadd.s32 $0xFFFFC000  }
0x30: {  	[bflag:$0x0] =	sbarrier.arrive $0xFFFF  }
0x31: {  	[tilespmem:s25], [sflag:$0x1] =	stream.linear.gather [hbm4b:s0+s4], $0x80, $0x38;
	[tilespmem:$0x18080] =	vst v63  }
0x32: {  	_ = 	snop  }
0x33: {  	[tilespmem:s23], [sflag:$0x1] =	stream.linear.gather [hbm4b:s21+s4], $0x4000, $0x38;
	[tilespmem:$0x18080] =	vst v63  }
0x34: {  	_ =	swait.ge [sflag:s26], $0x4000  }
0x35: {  	[sflag:s26] =	ssyncset.done $0x0  }
0x36: {  	[sflag:s26] =	ssyncadd.s32 $0xFFFFC000  }
0x37: {  	p0 =	sne.s32 s6, $0x1;
	_ =	swait.ge [sflag:s26], $0x80  }
.Ltmp0:
0x38: {  	[sflag:s26] =	ssyncset.done $0x0;
	(pc) =	sbr.rel @!p0 .LBB2_3-.Ltmp0, $4  }
0x39: {  	[sflag:s26] =	ssyncadd.s32 $0xFFFFFF80  }
0x3a: {  	[spmem:s2] =	stream.indirect.scatter.add.f32 [tilespmem:s23], [sflag:$0x2], $0x80, s25, s28, $0xb8;
	[tilespmem:$0x18080] =	vst v63  }
0x3b: {  	s30 =	sadd.s32 $0xFFFFFFFF, s6;
	_ =	swait.ge [sflag:s24], $0x4000  }
0x3c: {  	s31 =	smov.u32 s21;
	s22 =	smov.u32 s0;
	[sflag:s24] =	ssyncset.done $0x0  }
.LBB2_2:
0x3d: {  	[sflag:s24] =	ssyncadd.s32 $0xFFFFC000;
	s31 =	sadd.s32 $0x8000, s31;
	s22 =	sadd.s32 $0x100, s22  }
0x3e: {  	[tilespmem:s25], [sflag:$0x1] =	stream.linear.gather [hbm4b:s22+s4], $0x80, $0x38;
	[tilespmem:$0x18080] =	vst v63  }
0x3f: {  	p0 =	sne.s32 s30, $0x1;
	s30 =	sadd.s32 $0xFFFFFFFF, s30  }
0x40: {  	[tilespmem:s23], [sflag:$0x1] =	stream.linear.gather [hbm4b:s31+s4], $0x4000, $0x38;
	[tilespmem:$0x18080] =	vst v63  }
0x41: {  	_ =	swait.ge [sflag:s26], $0x4000  }
0x42: {  	[sflag:s26] =	ssyncset.done $0x0  }
0x43: {  	[sflag:s26] =	ssyncadd.s32 $0xFFFFC000  }
0x44: {  	_ =	swait.ge [sflag:s26], $0x80  }
.Ltmp1:
0x45: {  	[sflag:s26] =	ssyncset.done $0x0;
	(pc) =	sbr.rel @p0 .LBB2_2-.Ltmp1, $4  }
0x46: {  	[sflag:s26] =	ssyncadd.s32 $0xFFFFFF80  }
0x47: {  	[spmem:s2] =	stream.indirect.scatter.add.f32 [tilespmem:s23], [sflag:$0x2], $0x80, s25, s28, $0xb8;
	[tilespmem:$0x18080] =	vst v63  }
0x48: {  	_ =	swait.ge [sflag:s24], $0x4000  }
0x49: {  	[sflag:s24] =	ssyncset.done $0x0  }
.LBB2_3:
0x4a: {  	[sflag:s24] =	ssyncadd.s32 $0xFFFFC000  }
0x4b: {  	[bflag:$0x0] =	sbarrier.arrive $0xFFFF  }
0x4c: {  	[tilespmem:s23], [sflag:$0x2] =	stream.linear.gather [spmem:s5], $0x4000, $0x38;
	[tilespmem:$0x18080] =	vst v63  }
0x4d: {  	_ =	swait.ge [sflag:s24], $0x4000  }
0x4e: {  	[sflag:s24] =	ssyncset.done $0x0  }
0x4f: {  	[sflag:s24] =	ssyncadd.s32 $0xFFFFC000  }
0x50: {  	[hbm4b:s16+s4] =	stream.linear.scatter [tilespmem:s23], [sflag:$0x1], $0x4000, $0x38;
	[tilespmem:$0x18080] =	vst v63  }
0x51: {  	_ =	swait.ge [sflag:s26], $0x4000  }
0x52: {  	[sflag:s26] =	ssyncset.done $0x0  }
0x53: {  	[sflag:s26] =	ssyncadd.s32 $0xFFFFC000  }
0x54: {  	[tilespmem:s23], [sflag:$0x2] =	stream.linear.gather [spmem:s12], $0x4000, $0x38;
	[tilespmem:$0x18080] =	vst v63  }
0x55: {  	_ =	swait.ge [sflag:s24], $0x4000  }
0x56: {  	[sflag:s24] =	ssyncset.done $0x0  }
0x57: {  	[sflag:s24] =	ssyncadd.s32 $0xFFFFC000  }
0x58: {  	[hbm4b:s17+s4] =	stream.linear.scatter [tilespmem:s23], [sflag:$0x1], $0x4000, $0x38;
	[tilespmem:$0x18080] =	vst v63  }
0x59: {  	_ =	swait.ge [sflag:s26], $0x4000  }
0x5a: {  	[sflag:s26] =	ssyncset.done $0x0  }
0x5b: {  	[sflag:s26] =	ssyncadd.s32 $0xFFFFC000  }
0x5c: {  	[tilespmem:s23], [sflag:$0x2] =	stream.linear.gather [spmem:s13], $0x4000, $0x38;
	[tilespmem:$0x18080] =	vst v63  }
0x5d: {  	_ =	swait.ge [sflag:s24], $0x4000  }
0x5e: {  	[sflag:s24] =	ssyncset.done $0x0  }
0x5f: {  	[sflag:s24] =	ssyncadd.s32 $0xFFFFC000  }
0x60: {  	[hbm4b:s18+s4] =	stream.linear.scatter [tilespmem:s23], [sflag:$0x1], $0x4000, $0x38;
	[tilespmem:$0x18080] =	vst v63  }
0x61: {  	_ =	swait.ge [sflag:s26], $0x4000  }
0x62: {  	[sflag:s26] =	ssyncset.done $0x0  }
0x63: {  	[sflag:s26] =	ssyncadd.s32 $0xFFFFC000  }
0x64: {  	[tilespmem:s23], [sflag:$0x2] =	stream.linear.gather [spmem:s14], $0x4000, $0x38;
	[tilespmem:$0x18080] =	vst v63  }
0x65: {  	_ =	swait.ge [sflag:s24], $0x4000  }
0x66: {  	[sflag:s24] =	ssyncset.done $0x0  }
0x67: {  	[sflag:s24] =	ssyncadd.s32 $0xFFFFC000  }
0x68: {  	[hbm4b:s19+s4] =	stream.linear.scatter [tilespmem:s23], [sflag:$0x1], $0x4000, $0x38;
	[tilespmem:$0x18080] =	vst v63  }
0x69: {  	_ =	swait.ge [sflag:s26], $0x4000  }
0x6a: {  	[sflag:s26] =	ssyncset.done $0x0  }
0x6b: {  	[sflag:s26] =	ssyncadd.s32 $0xFFFFC000  }
0x6c: {  	[tilespmem:s23], [sflag:$0x2] =	stream.linear.gather [spmem:s15], $0x4000, $0x38;
	[tilespmem:$0x18080] =	vst v63  }
0x6d: {  	s29 =	sadd.s32 $0x1, s29;
	_ =	swait.ge [sflag:s24], $0x4000  }
0x6e: {  	p0 =	sne.s32 s29, s7;
	[sflag:s24] =	ssyncset.done $0x0  }
.Ltmp2:
0x6f: {  	[sflag:s24] =	ssyncadd.s32 $0xFFFFC000;
	(pc) =	sbr.rel @p0 .LBB2_1-.Ltmp2, $4  }
0x70: {  	[hbm4b:s20+s4] =	stream.linear.scatter [tilespmem:s23], [sflag:$0x1], $0x4000, $0x38;
	[tilespmem:$0x18080] =	vst v63  }
0x71: {  	_ =	swait.ge [sflag:s26], $0x4000  }
0x72: {  	[sflag:s26] =	ssyncset.done $0x0  }
0x73: {  	[sflag:s26] =	ssyncadd.s32 $0xFFFFC000  }
0x74: {  	_ =	sfence.sel $0x180000  }
0x75: {  	[bflag:$0x0] =	sbarrier.arrive $0xFFFF  }
0x76: {  	_ =	strace $0x9000004A  }
0x77: {  	[bflag:$0x2] =	sbarrier.arrive $0xFFFF  }
0x78: {  	p0 =	sne.s32 s3, $0x0;
	s0 =	rddreg [dreg:$0x3]  }
0x79: {  	s0 =	sadd.s32 @!p0 $0x100000, s0  }
0x7a: {  	[sflag:s0] =	ssyncadd.tile.s32 @!p0 $0x1;
	_ =	shalt  }
.Lfunc_end2:
_tile_overlayer_lowered:
.L_overlay_start_2:
0x7b: {  	(tag) =	ssettag $0x2  }
0x7c: {  	s0 =	rddreg [dreg:$0x0];
	s2 =	stileid.u32  }
0x7d: {  	s1 =	rddreg [dreg:$0x1];
	p0 =	sne.s32 s2, $0x0  }
0x7e: {  	s3 =	rddreg [dreg:$0x2];
	[bflag:$0x3] =	sbarrier.arrive $0xFFFF;
	s2 =	simm.s32 @!p0 $0x1C02  }
0x7f: {  	[timem:s3], [sflag:s2] =	dma.local @!p0 [hbm:s0], s1  }
0x80: {  	s0 =	simm.s32 @!p0 $0x2  }
0x81: {  	_ =	swait.ge @!p0 [sflag:s0], s1  }
0x82: {  	s1 =	ssub.s32 @!p0 $0x0, s1;
	[sflag:s0] =	ssyncset.done @!p0 $0x0  }
0x83: {  	[sflag:s0] =	ssyncadd.s32 @!p0 s1  }
0x84: {  	[bflag:$0x3] =	sbarrier.arrive $0xFFFF  }
0x85: {  	_ =	shalt  }

// kernel: kernel.7.cloned.1.call-start
scs
__scs_entry_jumppad:
0x0: {  	(pc) =	sbr.rel $0x88, $3  }
0x1: {  	(tag) =	ssettag $0x0;
	lr =	simm.s32 $0x1  }
0x2: {  	[smem:$0x3F92] =	sst lr;
	_ =	strace $0xD0000000  }
0x3: {  	_ = 	snop  }
0x4: {  	_ = 	snop  }
0x5: {  	_ = 	snop  }
0x6: {  	_ = 	snop  }
0x7: {  	_ = 	snop  }
__scs_overlays_trampoline_lowered:
0x8: {  	[smem:$0x3FA1] =	sst s0  }
0x9: {  	[smem:$0x3FA2] =	sst s1  }
0xa: {  	[smem:$0x3FA3] =	sst s2  }
0xb: {  	[smem:$0x3FA4] =	sst s3  }
0xc: {  	[smem:$0x3FA5] =	sst s4  }
0xd: {  	[smem:$0x3FA6] =	sst s5  }
0xe: {  	[smem:$0x3FA7] =	sst s6  }
0xf: {  	[smem:$0x3FA8] =	sst s7  }
0x10: {  	[smem:$0x3FA9] =	sst s8  }
0x11: {  	[smem:$0x3FAA] =	sst s9;
	s0 =	simm.s32 @!p0 $0x0  }
0x12: {  	s1 =	sld [smem:$0x3F90];
	s0 =	simm.s32 @p0 $0x1  }
0x13: {  	[smem:$0x3FAB] =	sst s0;
	s0 =	simm.s32 @!p1 $0x0  }
0x14: {  	s2 =	sld [smem:$0x3F8F];
	s0 =	simm.s32 @p1 $0x1  }
0x15: {  	[smem:$0x3FAC] =	sst s0;
	s0 =	simm.s32 @!p2 $0x0  }
0x16: {  	s3 =	sld [smem:$0x3FDB];
	s0 =	simm.s32 @p2 $0x1  }
0x17: {  	s4 =	simm.s32 $0x1BF5;
	[smem:$0x3FAE] =	sst s0  }
0x18: {  	s0 =	sld [smem:$0x3F91];
	_ =	swait.ge [sflag:s4], $0x0  }
0x19: {  	s7 =	sld [smem:$0x3F92]  }
0x1a: {  	s8 =	sadd.s32 $0xFFFFE003, lr  }
0x1b: {  	s9 =	sadd.s32 $0xFFFFFEF7, lr;
	s5 =	simm.s32 $0xFFFFFFFF;
	p2 =	slt.u32 s8, $0xFFFFF086  }
0x1c: {  	p1 =	slt.u32 s9, $0xF7A;
	s5 =	simm.s32 @!p2 $0x0  }
0x1d: {  	s5 =	simm.s32 @p1 $0x1;
	p0 =	seq.s32 s7, s2  }
0x1e: {  	s7 =	smul.u32 @!p0 $0xF7A, s2;
	p2 =	seq.s32 @!p0 s5, $0x0  }
0x1f: {  	s9 =	smul.u32 $0xF7A, s1;
	s8 =	simm.s32 @!p0 $0x1BF5;
	p2 =	por !p2, p0  }
0x20: {  	[sflag:s8] =	ssyncset.s32 @!p0 $0xFFFFF086;
	s6 =	sadd.s32 @!p0 s3, s7;
	s7 =	simm.s32 @!p0 $0x108  }
0x21: {  	s3 =	sadd.s32 s3, s9;
	s6 =	sadd.s32 @!p0 $0x88, s6;
	s7 =	simm.s32 @p2 $0x1082  }
0x22: {  	[simem:s7], [sflag:s8] =	dma.local @!p0 [hbm:s6], $0xF7A  }
0x23: {  	s9 =	sor.u32 $0xD0000000, s2;
	s6 =	simm.s32 $0x108;
	_ =	swait.ge @!p0 [sflag:s8], $0x0  }
0x24: {  	s3 =	sadd.s32 $0x88, s3;
	s6 =	simm.s32 @!p1 $0x1082;
	[sflag:s4] =	ssyncset.s32 $0xFFFFF086  }
0x25: {  	[simem:s6], [sflag:s4] =	dma.local [hbm:s3], $0xF7A  }
0x26: {  	[smem:$0x3F92] =	sst s1;
	(tag) =	ssettag s2;
	_ =	strace s9  }
0x27: {  	s1 =	sld [smem:$0x3FA2]  }
0x28: {  	s2 =	sld [smem:$0x3FA3]  }
0x29: {  	s4 =	sld [smem:$0x3FA5]  }
0x2a: {  	p0 =	seq.s32 s5, $0x0;
	s5 =	sld [smem:$0x3FA6]  }
0x2b: {  	s6 =	sld [smem:$0x3FA7]  }
0x2c: {  	s7 =	sld [smem:$0x3FA8]  }
0x2d: {  	s3 =	simm.s32 $0x108;
	s8 =	sld [smem:$0x3FA9]  }
0x2e: {  	s3 =	simm.s32 @!p0 $0x1082;
	s9 =	sld [smem:$0x3FAA]  }
0x2f: {  	lr =	sadd.s32 s0, s3;
	s0 =	sld [smem:$0x3FA1]  }
0x30: {  	s3 =	sld [smem:$0x3FA4]  }
0x31: {  	[smem:$0x3FAD] =	sst s10  }
0x32: {  	s10 =	sld [smem:$0x3FAB];
	_ =	sdelay $0x3  }
0x33: {  	p0 =	seq.s32 s10, $0x1;
	s10 =	sld [smem:$0x3FAD];
	_ =	sdelay $0x3  }
0x34: {  	[smem:$0x3FAD] =	sst s10  }
0x35: {  	s10 =	sld [smem:$0x3FAC];
	_ =	sdelay $0x3  }
0x36: {  	p1 =	seq.s32 s10, $0x1;
	s10 =	sld [smem:$0x3FAD];
	_ =	sdelay $0x3  }
0x37: {  	[smem:$0x3FAD] =	sst s10  }
0x38: {  	s10 =	sld [smem:$0x3FAE]  }
0x39: {  	_ = 	snop;
	(pc) =	sbr.ind lr, $3  }
0x3a: {  	_ = 	snop  }
0x3b: {  	_ = 	snop  }
0x3c: {  	p2 =	seq.s32 s10, $0x1;
	s10 =	sld [smem:$0x3FAD]  }
0x3d: {  	_ =	shalt  }
0x3e: {  	_ =	shalt  }
0x3f: {  	_ =	shalt  }
0x40: {  	_ =	shalt  }
0x41: {  	_ =	shalt  }
0x42: {  	_ =	shalt  }
0x43: {  	_ =	shalt  }
0x44: {  	_ =	shalt  }
0x45: {  	_ =	shalt  }
0x46: {  	_ =	shalt  }
0x47: {  	_ =	shalt  }
0x48: {  	_ =	shalt  }
0x49: {  	_ =	shalt  }
0x4a: {  	_ =	shalt  }
0x4b: {  	_ =	shalt  }
0x4c: {  	_ =	shalt  }
0x4d: {  	_ =	shalt  }
0x4e: {  	_ =	shalt  }
0x4f: {  	_ =	shalt  }
0x50: {  	_ =	shalt  }
0x51: {  	_ =	shalt  }
0x52: {  	_ =	shalt  }
0x53: {  	_ =	shalt  }
0x54: {  	_ =	shalt  }
0x55: {  	_ =	shalt  }
0x56: {  	_ =	shalt  }
0x57: {  	_ =	shalt  }
0x58: {  	_ =	shalt  }
0x59: {  	_ =	shalt  }
0x5a: {  	_ =	shalt  }
0x5b: {  	_ =	shalt  }
0x5c: {  	_ =	shalt  }
0x5d: {  	_ =	shalt  }
0x5e: {  	_ =	shalt  }
0x5f: {  	_ =	shalt  }
0x60: {  	_ =	shalt  }
0x61: {  	_ =	shalt  }
0x62: {  	_ =	shalt  }
0x63: {  	_ =	shalt  }
0x64: {  	_ =	shalt  }
0x65: {  	_ =	shalt  }
0x66: {  	_ =	shalt  }
0x67: {  	_ =	shalt  }
0x68: {  	_ =	shalt  }
0x69: {  	_ =	shalt  }
0x6a: {  	_ =	shalt  }
0x6b: {  	_ =	shalt  }
0x6c: {  	_ =	shalt  }
0x6d: {  	_ =	shalt  }
0x6e: {  	_ =	shalt  }
0x6f: {  	_ =	shalt  }
0x70: {  	_ =	shalt  }
0x71: {  	_ =	shalt  }
0x72: {  	_ =	shalt  }
0x73: {  	_ =	shalt  }
0x74: {  	_ =	shalt  }
0x75: {  	_ =	shalt  }
0x76: {  	_ =	shalt  }
0x77: {  	_ =	shalt  }
0x78: {  	_ =	shalt  }
0x79: {  	_ =	shalt  }
0x7a: {  	_ =	shalt  }
0x7b: {  	_ =	shalt  }
0x7c: {  	_ =	shalt  }
0x7d: {  	_ =	shalt  }
0x7e: {  	_ =	shalt  }
0x7f: {  	_ =	shalt  }
0x80: {  	_ =	shalt  }
0x81: {  	_ =	shalt  }
0x82: {  	_ =	shalt  }
0x83: {  	_ =	shalt  }
0x84: {  	_ =	shalt  }
0x85: {  	_ =	shalt  }
0x86: {  	_ =	shalt  }
0x87: {  	_ =	shalt  }
.Lfunc_end0:
.L_simem_size_0:
called_computation_lowered:
.L_overlay_start_0:
0x88: {  	s2 =	sld [smem:$0x3FD9]  }
0x89: {  	s3 =	sld [smem:$0x3FFE];
	_ =	sdelay $0x1  }
0x8a: {  	s1 =	srdreg.scid  }
0x8b: {  	s0 =	sand.u32 $0x1, s1  }
0x8c: {  	s14 =	sshll.u32 s0, $0xA;
	s2 =	sadd.s32 s3, s2  }
0x8d: {  	s2 =	sadd.s32 s2, s14  }
0x8e: {  	[smem:$0x3FB9] =	sst s2  }
0x8f: {  	_ = 	snop  }
0x90: {  	s2 =	sld [smem:$0x3FD0];
	_ =	sdelay $0x2  }
0x91: {  	s15 =	simm.s32 $0xA;
	s4 =	simm.s32 $0x10  }
0x92: {  	[smem:s4], [sflag:s15] =	dma.local [hbm:s2], $0x1  }
0x93: {  	_ =	swait.eq [sflag:s15], $0x1  }
0x94: {  	[sflag:s15] =	ssyncset.done $0x0  }
0x95: {  	s16 =	sld [smem:$0x10];
	[sflag:s15] =	ssyncadd.s32 $0xFFFFFFFF  }
0x96: {  	s17 =	sld [smem:$0x11];
	(tm) =	ssettm $0x1  }
0x97: {  	s18 =	sld [smem:$0x3FFB];
	_ =	sdelay $0x3  }
0x98: {  	_ =	strace s18  }
0x99: {  	s4 =	sld [smem:$0x3FFC];
	_ =	sdelay $0x3  }
0x9a: {  	_ =	strace s4  }
0x9b: {  	s4 =	sld [smem:$0x3FFD];
	_ =	sdelay $0x3  }
0x9c: {  	_ =	strace s4  }
0x9d: {  	_ =	strace $0x8FFFFFFF  }
0x9e: {  	s19 =	sld [smem:$0x3FDB];
	_ =	sdelay $0x1  }
0x9f: {  	s5 =	simm.s32 $_scs_section_size  }
0xa0: {  	s6 =	simm.s32 $_size__tile_overlayer_lowered;
	s7 =	simm.s32 $_tile_overlayer_lowered  }
0xa1: {  	s22 =	simm.s32 $0x1BFF;
	s21 =	sshll.u32 s7, $0x1;
	s4 =	sadd.s32 s5, s19  }
0xa2: {  	s8 =	simm.s32 $0x0;
	s20 =	sshll.u32 s6, $0x1;
	s6 =	sadd.s32 s21, s4  }
0xa3: {  	[timem:s8], [sflag:s22] =	dma.local [hbm:s6], s20  }
0xa4: {  	_ =	swait.ge [sflag:s22], s20  }
0xa5: {  	s5 =	ssub.s32 $0x0, s20;
	[sflag:s22] =	ssyncset.done $0x0  }
0xa6: {  	[sflag:s22] =	ssyncadd.s32 s5;
	_ =	sdelay $0x1  }
0xa7: {  	s23 =	simm.s32 $0x1B8B  }
0xa8: {  	_ =	swait.ge [sflag:s23], $0x1  }
0xa9: {  	[sflag:s23] =	ssyncset.done $0x0  }
0xaa: {  	s25 =	simm.s32 $0x1B8E;
	s24 =	sld [smem:$0x3FFE];
	[sflag:s23] =	ssyncadd.s32 $0xFFFFFFFF  }
0xab: {  	s26 =	simm.s32 $execute0_lowered;
	[smem:$0x3FD2] =	sst s25  }
0xac: {  	s6 =	sshll.u32 s26, $0x1;
	_ =	strace $0x80000046;
	[dreg:$0x1] =	wrdreg $0xFFFFFFFF  }
0xad: {  	s28 =	simm.s32 $_size_execute0_lowered;
	s4 =	sadd.s32 s4, s6;
	[dreg:$0x0] =	wrdreg $0x0  }
0xae: {  	s6 =	sshll.u32 s28, $0x1;
	[dreg:$0x2] =	wrdreg s4  }
0xaf: {  	[dreg:$0x3] =	wrdreg s6  }
0xb0: {  	[dreg:$0x4] =	wrdreg $0xC0  }
0xb1: {  	_ =	task [dreg:s8], $0x5FFFF  }
0xb2: {  	[dreg:$0x1] =	wrdreg $0xFFFFFFFF  }
0xb3: {  	[dreg:$0x0] =	wrdreg $0x60  }
0xb4: {  	[dreg:$0x2] =	wrdreg s16  }
0xb5: {  	[dreg:$0x3] =	wrdreg s17  }
0xb6: {  	[dreg:$0x4] =	wrdreg s24  }
0xb7: {  	[dreg:$0x5] =	wrdreg $0x9  }
0xb8: {  	_ =	task.clear_ibuf [dreg:s8], $0x6FFFF;
	_ =	strace $0x90000046  }
0xb9: {  	s29 =	simm.s32 $0x9;
	_ =	strace $0x80000048  }
0xba: {  	_ =	swait.ge [sflag:s29], $0x1  }
0xbb: {  	[sflag:s29] =	ssyncadd.s32 $0xFFFFFFFF  }
0xbc: {  	_ =	strace $0x90000048  }
0xbd: {  	_ =	sfence  }
0xbe: {  	s30 =	sld [smem:$0x0];
	_ =	sdelay $0x2  }
0xbf: {  	s31 =	sshll.u32 s1, $0xD;
	s1 =	sshrl.u32 s1, $0x2  }
0xc0: {  	s3 =	sand.u32 $0x4000, s31;
	s1 =	sadd.s32 s1, s30  }
0xc1: {  	s0 =	sor.u32 s3, s0;
	s1 =	sshll.u32 s1, $0x11  }
0xc2: {  	s0 =	sor.u32 s1, s0  }
0xc3: {  	s0 =	sadd.s32 $0x8F2B, s0  }
0xc4: {  	[sflag:s0] =	ssyncadd.remote.s32 $0x1  }
0xc5: {  	_ =	sfence.sel $0xFFFF  }
0xc6: {  	[dreg:$0x0] =	wrdreg $0xFFFFFFFF;
	(pc) =	sbr.abs _section_cstart, $3  }
0xc7: {  	[dreg:$0x1] =	wrdreg $0xFFFFFFFF  }
0xc8: {  	_ =	task.clear_ibuf [dreg:s8], $0x2FFFF;
	_ =	strace $0x9FFFFFFF  }
0xc9: {  	(tm) =	ssettm $0x7FFFFFFF  }
tec
execute0_lowered:
.L_overlay_start_1:
0x0: {  	(tag) =	ssettag $0x1  }
0x1: {  	s1 =	rddreg [dreg:$0x0]  }
0x2: {  	s2 =	rddreg [dreg:$0x1]  }
0x3: {  	s8 =	rddreg [dreg:$0x2]  }
0x4: {  	s0 =	rddreg [dreg:$0x3]  }
0x5: {  	s3 =	simm.s32 $0x0;
	s9 =	srdreg.scid;
	s4 =	stileid.u32  }
0x6: {  	s14 =	simm.s32 $0x80;
	s15 =	simm.s32 $0x1;
	s16 =	simm.s32 $0x100  }
0x7: {  	s17 =	simm.s32 $0x4100;
	s18 =	simm.s32 $0x8100;
	s19 =	simm.s32 $0x0  }
0x8: {  	[smem:$0x7FF] =	sst s3;
	s5 =	sadd.s32 $0x16C00, s8;
	s6 =	sadd.s32 $0x3000, s8  }
0x9: {  	s7 =	sadd.s32 $0xCE00, s8;
	s10 =	sand.u32 $0x1, s9;
	s25 =	sshll.u32 s4, $0xC  }
0xa: {  	s12 =	sshll.u32 s4, $0x1;
	s30 =	sshll.u32 s4, $0x8;
	_ =	strace $0x80000047  }
0xb: {  	s11 =	ssub.s32 $0x2, s10;
	s13 =	sadd.s32 s25, s8;
	s28 =	sor.u32 s12, s10  }
0xc: {  	s29 =	sshll.u32 s10, $0xB;
	s31 =	sshll.u32 s10, $0x7;
	s26 =	sshrl.u32 s11, $0x1  }
0xd: {  	s9 =	ssub.s32 $0x9E3, s28;
	s13 =	sadd.s32 s29, s13;
	s8 =	ssub.s32 s11, s26  }
0xe: {  	s9 =	sshrl.u32 s9, $0x5;
	s10 =	sadd.s32 $0x3DE00, s13;
	s11 =	sor.u32 s31, s30  }
0xf: {  	s12 =	sadd.s32 $0x51FE00, s13;
	s13 =	sadd.s32 $0xA01E00, s13;
	s8 =	smax.u32 s8, $0x1  }
.LBB2_1:
0x10: {  	p1 =	sne.s32 s9, $0x1  }
.Ltmp0:
0x11: {  	_ = 	snop;
	(pc) =	sbr.rel @!p1 .LBB2_2-.Ltmp0, $2  }
0x12: {  	_ =	sdelay $0x2  }
0x13: {  	s20 =	sadd.s32 $0xFFFFFFFF, s9;
	s25 =	sshrl.u32 s11, $0x3;
	p0 =	por $0x0, $0x0  }
0x14: {  	s21 =	sadd.s32 s6, s25  }
0x15: {  	[tilespmem:s3], [sflag:$0x1] =	stream.linear.gather [hbm4b:s21+s3], $0x80, $0x38;
	[tilespmem:$0xC100] =	vst v63  }
0x16: {  	s31 =	sadd.s32 s7, s25  }
0x17: {  	[tilespmem:s14], [sflag:$0x1] =	stream.linear.gather [hbm4b:s31+s3], $0x80, $0x38;
	[tilespmem:$0xC100] =	vst v63  }
0x18: {  	_ =	swait.ge [sflag:s15], $0x80  }
0x19: {  	[sflag:s15] =	ssyncset.done $0x0  }
0x1a: {  	[sflag:s15] =	ssyncadd.s32 $0xFFFFFF80  }
0x1b: {  	_ =	swait.ge [sflag:s15], $0x80  }
0x1c: {  	[sflag:s15] =	ssyncset.done $0x0  }
0x1d: {  	[sflag:s15] =	ssyncadd.s32 $0xFFFFFF80  }
0x1e: {  	[tilespmem:s16], [sflag:$0x1] =	stream.indirect.gather [hbm4b:s1+s14], $0x80, s3, s14, $0xb8;
	[tilespmem:$0xC100] =	vst v63  }
0x1f: {  	_ = 	snop  }
0x20: {  	[tilespmem:s17], [sflag:$0x1] =	stream.indirect.gather [hbm4b:s2+s14], $0x80, s14, s14, $0xb8;
	[tilespmem:$0xC100] =	vst v63  }
0x21: {  	_ = 	snop  }
0x22: {  	[tilespmem:s18], [sflag:$0x1] =	stream.indirect.gather [hbm4b:s5+s14], $0x80, s3, s14, $0xb8;
	[tilespmem:$0xC100] =	vst v63  }
0x23: {  	_ =	swait.ge [sflag:s15], $0x4000  }
0x24: {  	[sflag:s15] =	ssyncset.done $0x0  }
0x25: {  	[sflag:s15] =	ssyncadd.s32 $0xFFFFC000  }
0x26: {  	_ =	swait.ge [sflag:s15], $0x4000  }
0x27: {  	[sflag:s15] =	ssyncset.done $0x0  }
0x28: {  	[sflag:s15] =	ssyncadd.s32 $0xFFFFC000  }
0x29: {  	_ =	swait.ge [sflag:s15], $0x4000  }
0x2a: {  	[sflag:s15] =	ssyncset.done $0x0  }
0x2b: {  	[sflag:s15] =	ssyncadd.s32 $0xFFFFC000  }
0x2c: {  	[hbm4b:s10+s3] =	stream.linear.scatter [tilespmem:s16], [sflag:$0x1], $0x4000, $0x38;
	[tilespmem:$0xC100] =	vst v63  }
0x2d: {  	_ = 	snop  }
0x2e: {  	[hbm4b:s12+s3] =	stream.linear.scatter [tilespmem:s17], [sflag:$0x1], $0x4000, $0x38;
	[tilespmem:$0xC100] =	vst v63  }
0x2f: {  	_ = 	snop  }
0x30: {  	[hbm4b:s13+s3] =	stream.linear.scatter [tilespmem:s18], [sflag:$0x1], $0x4000, $0x38;
	[tilespmem:$0xC100] =	vst v63  }
0x31: {  	_ =	swait.ge [sflag:s15], $0x4000  }
0x32: {  	[sflag:s15] =	ssyncset.done $0x0  }
0x33: {  	p1 =	sne.s32 s20, $0x1;
	[sflag:s15] =	ssyncadd.s32 $0xFFFFC000  }
.Ltmp1:
0x34: {  	_ =	swait.ge [sflag:s15], $0x4000;
	(pc) =	sbr.rel @!p1 .LBB2_4-.Ltmp1, $4  }
0x35: {  	s23 =	sadd.s32 $0xFFFFFFFF, s20;
	[sflag:s15] =	ssyncset.done $0x0  }
0x36: {  	s24 =	sadd.s32 $0x1000, s11;
	s20 =	sadd.s32 $0x10000, s13;
	[sflag:s15] =	ssyncadd.s32 $0xFFFFC000  }
0x37: {  	p0 =	por $0x1, $0x1;
	s22 =	smov.u32 s10;
	_ =	swait.ge [sflag:s15], $0x4000  }
0x38: {  	s25 =	sshrl.u32 s24, $0x3;
	s21 =	sadd.s32 $0x10000, s12;
	[sflag:s15] =	ssyncset.done $0x0  }
.LBB2_5:
0x39: {  	s26 =	sadd.s32 s6, s25;
	[sflag:s15] =	ssyncadd.s32 $0xFFFFC000;
	s22 =	sadd.s32 $0x10000, s22  }
0x3a: {  	[tilespmem:s3], [sflag:$0x1] =	stream.linear.gather [hbm4b:s26+s3], $0x80, $0x38;
	[tilespmem:$0xC100] =	vst v63  }
0x3b: {  	p1 =	sne.s32 s23, $0x1;
	s23 =	sadd.s32 $0xFFFFFFFF, s23;
	s25 =	sadd.s32 s7, s25  }
0x3c: {  	[tilespmem:s14], [sflag:$0x1] =	stream.linear.gather [hbm4b:s25+s3], $0x80, $0x38;
	[tilespmem:$0xC100] =	vst v63  }
0x3d: {  	_ =	swait.ge [sflag:s15], $0x80  }
0x3e: {  	[sflag:s15] =	ssyncset.done $0x0  }
0x3f: {  	[sflag:s15] =	ssyncadd.s32 $0xFFFFFF80  }
0x40: {  	_ =	swait.ge [sflag:s15], $0x80  }
0x41: {  	[sflag:s15] =	ssyncset.done $0x0  }
0x42: {  	[sflag:s15] =	ssyncadd.s32 $0xFFFFFF80  }
0x43: {  	[tilespmem:s16], [sflag:$0x1] =	stream.indirect.gather [hbm4b:s1+s14], $0x80, s3, s14, $0xb8;
	[tilespmem:$0xC100] =	vst v63  }
0x44: {  	_ = 	snop  }
0x45: {  	[tilespmem:s17], [sflag:$0x1] =	stream.indirect.gather [hbm4b:s2+s14], $0x80, s14, s14, $0xb8;
	[tilespmem:$0xC100] =	vst v63  }
0x46: {  	_ = 	snop  }
0x47: {  	[tilespmem:s18], [sflag:$0x1] =	stream.indirect.gather [hbm4b:s5+s14], $0x80, s3, s14, $0xb8;
	[tilespmem:$0xC100] =	vst v63  }
0x48: {  	_ =	swait.ge [sflag:s15], $0x4000  }
0x49: {  	[sflag:s15] =	ssyncset.done $0x0  }
0x4a: {  	[sflag:s15] =	ssyncadd.s32 $0xFFFFC000  }
0x4b: {  	_ =	swait.ge [sflag:s15], $0x4000  }
0x4c: {  	[sflag:s15] =	ssyncset.done $0x0  }
0x4d: {  	[sflag:s15] =	ssyncadd.s32 $0xFFFFC000  }
0x4e: {  	_ =	swait.ge [sflag:s15], $0x4000  }
0x4f: {  	[sflag:s15] =	ssyncset.done $0x0  }
0x50: {  	[sflag:s15] =	ssyncadd.s32 $0xFFFFC000  }
0x51: {  	[hbm4b:s22+s3] =	stream.linear.scatter [tilespmem:s16], [sflag:$0x1], $0x4000, $0x38;
	[tilespmem:$0xC100] =	vst v63  }
0x52: {  	_ = 	snop  }
0x53: {  	[hbm4b:s21+s3] =	stream.linear.scatter [tilespmem:s17], [sflag:$0x1], $0x4000, $0x38;
	[tilespmem:$0xC100] =	vst v63  }
0x54: {  	_ = 	snop  }
0x55: {  	[hbm4b:s20+s3] =	stream.linear.scatter [tilespmem:s18], [sflag:$0x1], $0x4000, $0x38;
	[tilespmem:$0xC100] =	vst v63  }
0x56: {  	_ =	swait.ge [sflag:s15], $0x4000  }
0x57: {  	[sflag:s15] =	ssyncset.done $0x0  }
0x58: {  	[sflag:s15] =	ssyncadd.s32 $0xFFFFC000  }
.Ltmp2:
0x59: {  	_ =	swait.ge [sflag:s15], $0x4000;
	(pc) =	sbr.rel @p1 .LBB2_5-.Ltmp2, $4  }
0x5a: {  	[sflag:s15] =	ssyncset.done $0x0  }
0x5b: {  	[sflag:s15] =	ssyncadd.s32 $0xFFFFC000  }
0x5c: {  	s24 =	sadd.s32 $0x1000, s24;
	s20 =	sadd.s32 $0x10000, s20;
	_ =	swait.ge [sflag:s15], $0x4000  }
0x5d: {  	s25 =	sshrl.u32 s24, $0x3;
	s21 =	sadd.s32 $0x10000, s21;
	[sflag:s15] =	ssyncset.done $0x0  }
.LBB2_6:
0x5e: {  	s23 =	sadd.s32 s6, s25;
	[sflag:s15] =	ssyncadd.s32 @p0 $0xFFFFC000  }
0x5f: {  	[tilespmem:s3], [sflag:$0x1] =	stream.linear.gather [hbm4b:s23+s3], $0x80, $0x38;
	[tilespmem:$0xC100] =	vst v63  }
0x60: {  	s31 =	sadd.s32 s7, s25  }
0x61: {  	[tilespmem:s14], [sflag:$0x1] =	stream.linear.gather [hbm4b:s31+s3], $0x80, $0x38;
	[tilespmem:$0xC100] =	vst v63  }
0x62: {  	_ =	swait.ge [sflag:s15], $0x80  }
0x63: {  	[sflag:s15] =	ssyncset.done $0x0  }
0x64: {  	[sflag:s15] =	ssyncadd.s32 $0xFFFFFF80  }
0x65: {  	_ =	swait.ge [sflag:s15], $0x80  }
0x66: {  	[sflag:s15] =	ssyncset.done $0x0  }
0x67: {  	[sflag:s15] =	ssyncadd.s32 $0xFFFFFF80  }
0x68: {  	[tilespmem:s16], [sflag:$0x1] =	stream.indirect.gather [hbm4b:s1+s14], $0x80, s3, s14, $0xb8;
	[tilespmem:$0xC100] =	vst v63  }
0x69: {  	_ = 	snop  }
0x6a: {  	[tilespmem:s17], [sflag:$0x1] =	stream.indirect.gather [hbm4b:s2+s14], $0x80, s14, s14, $0xb8;
	[tilespmem:$0xC100] =	vst v63  }
0x6b: {  	_ = 	snop  }
0x6c: {  	[tilespmem:s18], [sflag:$0x1] =	stream.indirect.gather [hbm4b:s5+s14], $0x80, s3, s14, $0xb8;
	[tilespmem:$0xC100] =	vst v63  }
0x6d: {  	_ =	swait.ge [sflag:s15], $0x4000  }
0x6e: {  	[sflag:s15] =	ssyncset.done $0x0  }
0x6f: {  	[sflag:s15] =	ssyncadd.s32 $0xFFFFC000  }
0x70: {  	_ =	swait.ge [sflag:s15], $0x4000  }
0x71: {  	[sflag:s15] =	ssyncset.done $0x0  }
0x72: {  	[sflag:s15] =	ssyncadd.s32 $0xFFFFC000  }
0x73: {  	_ =	swait.ge [sflag:s15], $0x4000  }
0x74: {  	s22 =	sadd.s32 @p0 $0x10000, s22;
	s23 =	smov.u32 s10;
	[sflag:s15] =	ssyncset.done $0x0  }
0x75: {  	s23 =	smov.u32 @p0 s22;
	[sflag:s15] =	ssyncadd.s32 $0xFFFFC000  }
0x76: {  	[hbm4b:s23+s3] =	stream.linear.scatter [tilespmem:s16], [sflag:$0x1], $0x4000, $0x38;
	[tilespmem:$0xC100] =	vst v63  }
0x77: {  	_ = 	snop  }
0x78: {  	[hbm4b:s21+s3] =	stream.linear.scatter [tilespmem:s17], [sflag:$0x1], $0x4000, $0x38;
	[tilespmem:$0xC100] =	vst v63  }
0x79: {  	_ = 	snop  }
0x7a: {  	[hbm4b:s20+s3] =	stream.linear.scatter [tilespmem:s18], [sflag:$0x1], $0x4000, $0x38;
	[tilespmem:$0xC100] =	vst v63  }
0x7b: {  	_ =	swait.ge [sflag:s15], $0x4000  }
0x7c: {  	[sflag:s15] =	ssyncset.done $0x0  }
0x7d: {  	s19 =	sadd.s32 $0x1, s19;
	[sflag:s15] =	ssyncadd.s32 $0xFFFFC000  }
0x7e: {  	p0 =	sne.s32 s19, s8;
	_ =	swait.ge [sflag:s15], $0x4000  }
.Ltmp3:
0x7f: {  	[sflag:s15] =	ssyncset.done $0x0;
	(pc) =	sbr.rel @p0 .LBB2_1-.Ltmp3, $4  }
.Ltmp4:
0x80: {  	[sflag:s15] =	ssyncadd.s32 $0xFFFFC000;
	(pc) =	sbr.rel @!p0 .LBB2_7-.Ltmp4, $4  }
0x81: {  	_ =	swait.ge [sflag:s15], $0x4000  }
0x82: {  	[sflag:s15] =	ssyncset.done $0x0  }
0x83: {  	[sflag:s15] =	ssyncadd.s32 $0xFFFFC000  }
0x84: {  	_ = 	snop  }
.LBB2_2:
.Ltmp5:
0x85: {  	(pc) =	sbr.rel .LBB2_6-.Ltmp5, $2  }
0x86: {  	_ =	sdelay $0x2  }
0x87: {  	s22 =	smov.u32 s10;
	s21 =	smov.u32 s12;
	s20 =	smov.u32 s13  }
.LBB2_4:
.Ltmp6:
0x88: {  	(pc) =	sbr.rel .LBB2_6-.Ltmp6, $2  }
0x89: {  	_ =	sdelay $0x2  }
0x8a: {  	s22 =	smov.u32 s10  }
.LBB2_7:
0x8b: {  	_ =	sfence.sel $0x180000  }
0x8c: {  	[bflag:$0x0] =	sbarrier.arrive $0xFFFF  }
0x8d: {  	p0 =	sne.s32 s4, $0x0;
	_ =	strace $0x90000047  }
0x8e: {  	s0 =	sadd.s32 @!p0 $0x100000, s0;
	[bflag:$0x2] =	sbarrier.arrive $0xFFFF  }
0x8f: {  	[sflag:s0] =	ssyncadd.tile.s32 @!p0 $0x1;
	_ =	shalt  }
.Lfunc_end2:
_tile_overlayer_lowered:
.L_overlay_start_2:
0x90: {  	(tag) =	ssettag $0x2  }
0x91: {  	s0 =	rddreg [dreg:$0x0];
	s2 =	stileid.u32  }
0x92: {  	s1 =	rddreg [dreg:$0x1];
	p0 =	sne.s32 s2, $0x0  }
0x93: {  	s3 =	rddreg [dreg:$0x2];
	[bflag:$0x3] =	sbarrier.arrive $0xFFFF;
	s2 =	simm.s32 @!p0 $0x1C02  }
0x94: {  	[timem:s3], [sflag:s2] =	dma.local @!p0 [hbm:s0], s1  }
0x95: {  	s0 =	simm.s32 @!p0 $0x2  }
0x96: {  	_ =	swait.ge @!p0 [sflag:s0], s1  }
0x97: {  	s1 =	ssub.s32 @!p0 $0x0, s1;
	[sflag:s0] =	ssyncset.done @!p0 $0x0  }
0x98: {  	[sflag:s0] =	ssyncadd.s32 @!p0 s1  }
0x99: {  	[bflag:$0x3] =	sbarrier.arrive $0xFFFF  }
0x9a: {  	_ =	shalt  }

</sc_bundles>
